<compile_context>
chip_gen: v7x
topology: tpu7x:2x2x1
jax: 0.10.2.dev20260603
libtpu: 0.0.44.dev20260713+nightly
codegen_flags: <defaults>
</compile_context>

<pallas_src>
import functools

import jax
import jax.numpy as jnp
from jax import lax
from jax.experimental import pallas as pl
from jax.experimental.pallas import tpu as pltpu
from jax.experimental.pallas import tpu_sc as plsc

_L = 16
_CHUNK = 128


def _rotate(x, k):
    perm = (lax.iota(jnp.int32, _L) + k) & (_L - 1)
    return lax.gather(
        x, perm[:, None],
        dimension_numbers=lax.GatherDimensionNumbers(
            offset_dims=(), collapsed_slice_dims=(0,), start_index_map=(0,)),
        slice_sizes=(1,),
        mode=lax.GatherScatterMode.PROMISE_IN_BOUNDS)


@functools.lru_cache(maxsize=None)
def _build(B, D):
    info = plsc.get_sparse_core_info()
    nc, ns = info.num_cores, info.num_subcores
    nw = nc * ns
    bpw = B // nw
    nchunks = bpw // _CHUNK
    mesh = plsc.VectorSubcoreMesh(core_axis_name="c", subcore_axis_name="s")

    @functools.partial(
        pl.kernel,
        mesh=mesh,
        compiler_params=pltpu.CompilerParams(
            use_tc_tiling_on_sc=False, needs_layout_passes=False),
        out_type=[
            jax.ShapeDtypeStruct((B,), jnp.float32),
            jax.ShapeDtypeStruct((B, D), jnp.float32),
            jax.ShapeDtypeStruct((B, D), jnp.float32),
            jax.ShapeDtypeStruct((B,), jnp.float32),
            jax.ShapeDtypeStruct((B,), jnp.float32),
        ],
        scratch_types=[
            pltpu.VMEM((nchunks, _CHUNK), jnp.int32),
            pltpu.VMEM((nchunks, _CHUNK), jnp.int32),
            pltpu.VMEM((bpw, D), jnp.float32),
            pltpu.VMEM((bpw, D), jnp.float32),
            pltpu.VMEM((bpw,), jnp.float32),
            pltpu.VMEM((bpw,), jnp.float32),
            pltpu.VMEM((bpw,), jnp.float32),
            pltpu.SemaphoreType.DMA,
        ],
    )
    def mf_kernel(q_hbm, u_hbm, ufac_hbm, qfac_hbm, ubias_hbm, qbias_hbm,
                  res_out, uf_out, qf_out, ub_out, qb_out,
                  uidx_v, qidx_v, uf_v, qf_v, ub_v, qb_v, res_v, sem):
        wid = lax.axis_index("s") * nc + lax.axis_index("c")
        base = wid * bpw

        pltpu.sync_copy(u_hbm.at[pl.ds(wid * nchunks, nchunks)], uidx_v)
        pltpu.sync_copy(q_hbm.at[pl.ds(wid * nchunks, nchunks)], qidx_v)

        copies = []
        for j in range(nchunks):
            sl = pl.ds(j * _CHUNK, _CHUNK)
            copies.append(pltpu.async_copy(ufac_hbm.at[uidx_v.at[j]], uf_v.at[sl], sem))
            copies.append(pltpu.async_copy(qfac_hbm.at[qidx_v.at[j]], qf_v.at[sl], sem))
            copies.append(pltpu.async_copy(ubias_hbm.at[uidx_v.at[j]], ub_v.at[sl], sem))
            copies.append(pltpu.async_copy(qbias_hbm.at[qidx_v.at[j]], qb_v.at[sl], sem))
        for c in copies:
            c.wait()

        nvec = D // _L

        def body(i, carry):
            r0 = i * _L
            rows = r0 + lax.iota(jnp.int32, _L)
            acc = jnp.zeros((_L,), jnp.float32)
            for col in range(D):
                cols = jnp.full((_L,), col, jnp.int32)
                a = plsc.load_gather(uf_v, [rows, cols])
                b = plsc.load_gather(qf_v, [rows, cols])
                acc = acc + a * b
            x = acc + ub_v[pl.ds(r0, _L)] + qb_v[pl.ds(r0, _L)]
            res_v[pl.ds(r0, _L)] = 1.0 / (1.0 + jnp.exp(-x))
            return carry

        lax.fori_loop(0, bpw // _L, body, 0)

        pltpu.sync_copy(res_v, res_out.at[pl.ds(base, bpw)])
        pltpu.sync_copy(uf_v, uf_out.at[pl.ds(base, bpw)])
        pltpu.sync_copy(qf_v, qf_out.at[pl.ds(base, bpw)])
        pltpu.sync_copy(ub_v, ub_out.at[pl.ds(base, bpw)])
        pltpu.sync_copy(qb_v, qb_out.at[pl.ds(base, bpw)])

    return mf_kernel


def kernel(question, user, user_factors, question_factors, user_biases, question_biases):
    B = question.shape[0]
    D = user_factors.shape[1]
    q2 = question.astype(jnp.int32).reshape(B // _CHUNK, _CHUNK)
    u2 = user.astype(jnp.int32).reshape(B // _CHUNK, _CHUNK)
    res, uf, qf, ub, qb = _build(B, D)(
        q2, u2, user_factors, question_factors,
        user_biases.reshape(-1), question_biases.reshape(-1))
    return (res.reshape(B, 1), uf, qf, ub.reshape(B, 1), qb.reshape(B, 1))

# --- scband reference (transcript-rebuilt; emitter-appended) ---
"""Pipeline reference for scband-basic-matrix-factorization-755914244150 (READ-ONLY COPY).

The authoritative reference and input builder live on the scoring server;
editing this copy changes nothing except your own understanding.
"""

import jax, jax.numpy as jnp
import numpy as np

nUser = 1000000
nQuestions = 100000
nfactors = 32
B = 16384

def setup_inputs(seed: int = 0) -> dict:
    key = jax.random.key(seed)
    k1, k2, k3, k4, k5, k6 = jax.random.split(key, 6)
    return {
        "question": jax.random.randint(k1, (B,), 0, nQuestions),
        "user": jax.random.randint(k2, (B,), 0, nUser),
        "user_factors": jax.random.normal(k3, (nUser, nfactors), dtype=jnp.float32) * 0.01,
        "question_factors": jax.random.normal(k4, (nQuestions, nfactors), dtype=jnp.float32) * 0.01,
        "user_biases": jax.random.normal(k5, (nUser, 1), dtype=jnp.float32) * 0.01,
        "question_biases": jax.random.normal(k6, (nQuestions, 1), dtype=jnp.float32) * 0.01,
    }

def reference(question, user, user_factors, question_factors, user_biases, question_biases):
    uf = jnp.take(user_factors, user, axis=0)
    qf = jnp.take(question_factors, question, axis=0)
    ub = jnp.take(user_biases, user, axis=0)
    qb = jnp.take(question_biases, question, axis=0)
    result = jax.nn.sigmoid(jnp.sum(uf * qf, axis=1, keepdims=True) + ub + qb)
    return (result, uf, qf, ub, qb)

if __name__ == "__main__":
    import jax
    _d = setup_inputs()
    print(jax.jit(kernel)(*tuple(_d.values())))

</pallas_src>

<mosaic_0001>
#map = affine_map<(d0, d1) -> (0, 0)>
#map1 = affine_map<(d0, d1) -> (0)>
module attributes {stable_mosaic.version = 14 : i64} {
  func.func @mf_kernel(%arg0: i32, %arg1: i32, %arg2: memref<128x128xi32, #tpu.memory_space<hbm>>, %arg3: memref<128x128xi32, #tpu.memory_space<hbm>>, %arg4: memref<1000000x32xf32, #tpu.memory_space<hbm>>, %arg5: memref<100000x32xf32, #tpu.memory_space<hbm>>, %arg6: memref<1000000xf32, #tpu.memory_space<hbm>>, %arg7: memref<100000xf32, #tpu.memory_space<hbm>>, %arg8: memref<16384xf32, #tpu.memory_space<hbm>>, %arg9: memref<16384x32xf32, #tpu.memory_space<hbm>>, %arg10: memref<16384x32xf32, #tpu.memory_space<hbm>>, %arg11: memref<16384xf32, #tpu.memory_space<hbm>>, %arg12: memref<16384xf32, #tpu.memory_space<hbm>>, %arg13: memref<4x128xi32, #tpu.memory_space<vmem>>, %arg14: memref<4x128xi32, #tpu.memory_space<vmem>>, %arg15: memref<512x32xf32, #tpu.memory_space<vmem>>, %arg16: memref<512x32xf32, #tpu.memory_space<vmem>>, %arg17: memref<512xf32, #tpu.memory_space<vmem>>, %arg18: memref<512xf32, #tpu.memory_space<vmem>>, %arg19: memref<512xf32, #tpu.memory_space<vmem>>, %arg20: memref<!tpu.dma_semaphore, #tpu.memory_space<semaphore_mem>>) attributes {dimension_semantics = [#tpu.dimension_semantics<core_parallel>, #tpu.dimension_semantics<subcore_parallel>], iteration_bounds = array<i64: 2, 16>, scalar_prefetch = 0 : i64, scratch_operands = 8 : i64, tpu.core_type = #tpu.core_type<sc_vector_subcore>, window_params = [{transform_indices = #map}, {transform_indices = #map}, {transform_indices = #map}, {transform_indices = #map}, {transform_indices = #map1}, {transform_indices = #map1}, {transform_indices = #map1}, {transform_indices = #map}, {transform_indices = #map}, {transform_indices = #map1}, {transform_indices = #map1}]} {
    %mul3A = arith.constant 2 : i32
    %mul3A_0 = arith.muli %arg1, %mul3A : i32
    %add3A = arith.addi %mul3A_0, %arg0 : i32
    %mul3A_1 = arith.constant 512 : i32
    %mul3A_2 = arith.muli %add3A, %mul3A_1 : i32
    %mul3A_3 = arith.constant 4 : i32
    %mul3A_4 = arith.muli %add3A, %mul3A_3 : i32
    "tpu.region"() ({
      %run_scoped3A = tpu.sem_alloc : memref<!tpu.dma_semaphore, #tpu.memory_space<semaphore_mem>>
      %dma_start3A_298 = arith.constant 0 : i32
      %dma_start3A_299 = tpu.memref_slice %arg3[%mul3A_4, %dma_start3A_298] : memref<128x128xi32, #tpu.memory_space<hbm>> -> memref<4x128xi32, #tpu.memory_space<hbm>>
      %dma_start3A_300 = arith.constant 0 : i32
      %dma_start3A_301 = tpu.memref_slice %arg3[%mul3A_4, %dma_start3A_300] : memref<128x128xi32, #tpu.memory_space<hbm>> -> memref<4x128xi32, #tpu.memory_space<hbm>>
      tpu.enqueue_dma source(%dma_start3A_301 : memref<4x128xi32, #tpu.memory_space<hbm>>) target(%arg13 : memref<4x128xi32, #tpu.memory_space<vmem>>) target_semaphore(%run_scoped3A : memref<!tpu.dma_semaphore, #tpu.memory_space<semaphore_mem>>)
      %dma_wait3A_302 = arith.constant 0 : i32
      %dma_wait3A_303 = tpu.memref_slice %arg3[%mul3A_4, %dma_wait3A_302] : memref<128x128xi32, #tpu.memory_space<hbm>> -> memref<4x128xi32, #tpu.memory_space<hbm>>
      %dma_wait3A_304 = arith.constant 0 : i32
      %dma_wait3A_305 = tpu.memref_slice %arg3[%mul3A_4, %dma_wait3A_304] : memref<128x128xi32, #tpu.memory_space<hbm>> -> memref<4x128xi32, #tpu.memory_space<hbm>>
      tpu.wait_dma2 semaphore(%run_scoped3A : memref<!tpu.dma_semaphore, #tpu.memory_space<semaphore_mem>>) src(%dma_wait3A_305 : memref<4x128xi32, #tpu.memory_space<hbm>>) dst(%arg13 : memref<4x128xi32, #tpu.memory_space<vmem>>)
      tpu.yield
    }) : () -> ()
    %mul3A_5 = arith.constant 4 : i32
    %mul3A_6 = arith.muli %add3A, %mul3A_5 : i32
    "tpu.region"() ({
      %run_scoped3A = tpu.sem_alloc : memref<!tpu.dma_semaphore, #tpu.memory_space<semaphore_mem>>
      %dma_start3A_298 = arith.constant 0 : i32
      %dma_start3A_299 = tpu.memref_slice %arg2[%mul3A_6, %dma_start3A_298] : memref<128x128xi32, #tpu.memory_space<hbm>> -> memref<4x128xi32, #tpu.memory_space<hbm>>
      %dma_start3A_300 = arith.constant 0 : i32
      %dma_start3A_301 = tpu.memref_slice %arg2[%mul3A_6, %dma_start3A_300] : memref<128x128xi32, #tpu.memory_space<hbm>> -> memref<4x128xi32, #tpu.memory_space<hbm>>
      tpu.enqueue_dma source(%dma_start3A_301 : memref<4x128xi32, #tpu.memory_space<hbm>>) target(%arg14 : memref<4x128xi32, #tpu.memory_space<vmem>>) target_semaphore(%run_scoped3A : memref<!tpu.dma_semaphore, #tpu.memory_space<semaphore_mem>>)
      %dma_wait3A_302 = arith.constant 0 : i32
      %dma_wait3A_303 = tpu.memref_slice %arg2[%mul3A_6, %dma_wait3A_302] : memref<128x128xi32, #tpu.memory_space<hbm>> -> memref<4x128xi32, #tpu.memory_space<hbm>>
      %dma_wait3A_304 = arith.constant 0 : i32
      %dma_wait3A_305 = tpu.memref_slice %arg2[%mul3A_6, %dma_wait3A_304] : memref<128x128xi32, #tpu.memory_space<hbm>> -> memref<4x128xi32, #tpu.memory_space<hbm>>
      tpu.wait_dma2 semaphore(%run_scoped3A : memref<!tpu.dma_semaphore, #tpu.memory_space<semaphore_mem>>) src(%dma_wait3A_305 : memref<4x128xi32, #tpu.memory_space<hbm>>) dst(%arg14 : memref<4x128xi32, #tpu.memory_space<vmem>>)
      tpu.yield
    }) : () -> ()
    %dma_start3A = arith.constant 0 : i32
    %dma_start3A_7 = arith.constant 0 : i32
    %dma_start3A_8 = arith.constant 0 : i32
    %dma_start3A_9 = tpu.memref_slice %arg15[%dma_start3A_7, %dma_start3A_8] : memref<512x32xf32, #tpu.memory_space<vmem>> -> memref<128x32xf32, #tpu.memory_space<vmem>>
    %dma_start3A_10 = arith.constant 0 : i32
    %dma_start3A_11 = tpu.memref_slice %arg13[%dma_start3A, %dma_start3A_10] : memref<4x128xi32, #tpu.memory_space<vmem>> -> memref<1x128xi32, #tpu.memory_space<vmem>>
    %dma_start3A_12 = tpu.memref_squeeze %dma_start3A_11 : memref<1x128xi32, #tpu.memory_space<vmem>> -> memref<128xi32, #tpu.memory_space<vmem>>
    %dma_start3A_13 = arith.constant 0 : i32
    %dma_start3A_14 = arith.constant 0 : i32
    %dma_start3A_15 = tpu.memref_slice %arg4[%dma_start3A_13, %dma_start3A_14] : memref<1000000x32xf32, #tpu.memory_space<hbm>> -> memref<1000000x32xf32, #tpu.memory_space<hbm>>
    tpu.enqueue_indirect_dma source(%dma_start3A_15 : memref<1000000x32xf32, #tpu.memory_space<hbm>>) target(%dma_start3A_9 : memref<128x32xf32, #tpu.memory_space<vmem>>) offsets(%dma_start3A_12 : memref<128xi32, #tpu.memory_space<vmem>>) semaphore(%arg20 : memref<!tpu.dma_semaphore, #tpu.memory_space<semaphore_mem>>)
    %dma_start3A_16 = arith.constant 0 : i32
    %dma_start3A_17 = arith.constant 0 : i32
    %dma_start3A_18 = arith.constant 0 : i32
    %dma_start3A_19 = tpu.memref_slice %arg16[%dma_start3A_17, %dma_start3A_18] : memref<512x32xf32, #tpu.memory_space<vmem>> -> memref<128x32xf32, #tpu.memory_space<vmem>>
    %dma_start3A_20 = arith.constant 0 : i32
    %dma_start3A_21 = tpu.memref_slice %arg14[%dma_start3A_16, %dma_start3A_20] : memref<4x128xi32, #tpu.memory_space<vmem>> -> memref<1x128xi32, #tpu.memory_space<vmem>>
    %dma_start3A_22 = tpu.memref_squeeze %dma_start3A_21 : memref<1x128xi32, #tpu.memory_space<vmem>> -> memref<128xi32, #tpu.memory_space<vmem>>
    %dma_start3A_23 = arith.constant 0 : i32
    %dma_start3A_24 = arith.constant 0 : i32
    %dma_start3A_25 = tpu.memref_slice %arg5[%dma_start3A_23, %dma_start3A_24] : memref<100000x32xf32, #tpu.memory_space<hbm>> -> memref<100000x32xf32, #tpu.memory_space<hbm>>
    tpu.enqueue_indirect_dma source(%dma_start3A_25 : memref<100000x32xf32, #tpu.memory_space<hbm>>) target(%dma_start3A_19 : memref<128x32xf32, #tpu.memory_space<vmem>>) offsets(%dma_start3A_22 : memref<128xi32, #tpu.memory_space<vmem>>) semaphore(%arg20 : memref<!tpu.dma_semaphore, #tpu.memory_space<semaphore_mem>>)
    %dma_start3A_26 = arith.constant 0 : i32
    %dma_start3A_27 = arith.constant 0 : i32
    %dma_start3A_28 = tpu.memref_slice %arg17[%dma_start3A_27] : memref<512xf32, #tpu.memory_space<vmem>> -> memref<128xf32, #tpu.memory_space<vmem>>
    %dma_start3A_29 = arith.constant 0 : i32
    %dma_start3A_30 = tpu.memref_slice %arg13[%dma_start3A_26, %dma_start3A_29] : memref<4x128xi32, #tpu.memory_space<vmem>> -> memref<1x128xi32, #tpu.memory_space<vmem>>
    %dma_start3A_31 = tpu.memref_squeeze %dma_start3A_30 : memref<1x128xi32, #tpu.memory_space<vmem>> -> memref<128xi32, #tpu.memory_space<vmem>>
    %dma_start3A_32 = arith.constant 0 : i32
    %dma_start3A_33 = tpu.memref_slice %arg6[%dma_start3A_32] : memref<1000000xf32, #tpu.memory_space<hbm>> -> memref<1000000xf32, #tpu.memory_space<hbm>>
    tpu.enqueue_indirect_dma source(%dma_start3A_33 : memref<1000000xf32, #tpu.memory_space<hbm>>) target(%dma_start3A_28 : memref<128xf32, #tpu.memory_space<vmem>>) offsets(%dma_start3A_31 : memref<128xi32, #tpu.memory_space<vmem>>) semaphore(%arg20 : memref<!tpu.dma_semaphore, #tpu.memory_space<semaphore_mem>>)
    %dma_start3A_34 = arith.constant 0 : i32
    %dma_start3A_35 = arith.constant 0 : i32
    %dma_start3A_36 = tpu.memref_slice %arg18[%dma_start3A_35] : memref<512xf32, #tpu.memory_space<vmem>> -> memref<128xf32, #tpu.memory_space<vmem>>
    %dma_start3A_37 = arith.constant 0 : i32
    %dma_start3A_38 = tpu.memref_slice %arg14[%dma_start3A_34, %dma_start3A_37] : memref<4x128xi32, #tpu.memory_space<vmem>> -> memref<1x128xi32, #tpu.memory_space<vmem>>
    %dma_start3A_39 = tpu.memref_squeeze %dma_start3A_38 : memref<1x128xi32, #tpu.memory_space<vmem>> -> memref<128xi32, #tpu.memory_space<vmem>>
    %dma_start3A_40 = arith.constant 0 : i32
    %dma_start3A_41 = tpu.memref_slice %arg7[%dma_start3A_40] : memref<100000xf32, #tpu.memory_space<hbm>> -> memref<100000xf32, #tpu.memory_space<hbm>>
    tpu.enqueue_indirect_dma source(%dma_start3A_41 : memref<100000xf32, #tpu.memory_space<hbm>>) target(%dma_start3A_36 : memref<128xf32, #tpu.memory_space<vmem>>) offsets(%dma_start3A_39 : memref<128xi32, #tpu.memory_space<vmem>>) semaphore(%arg20 : memref<!tpu.dma_semaphore, #tpu.memory_space<semaphore_mem>>)
    %dma_start3A_42 = arith.constant 1 : i32
    %dma_start3A_43 = arith.constant 128 : i32
    %dma_start3A_44 = arith.constant 0 : i32
    %dma_start3A_45 = tpu.memref_slice %arg15[%dma_start3A_43, %dma_start3A_44] : memref<512x32xf32, #tpu.memory_space<vmem>> -> memref<128x32xf32, #tpu.memory_space<vmem>>
    %dma_start3A_46 = arith.constant 0 : i32
    %dma_start3A_47 = tpu.memref_slice %arg13[%dma_start3A_42, %dma_start3A_46] : memref<4x128xi32, #tpu.memory_space<vmem>> -> memref<1x128xi32, #tpu.memory_space<vmem>>
    %dma_start3A_48 = tpu.memref_squeeze %dma_start3A_47 : memref<1x128xi32, #tpu.memory_space<vmem>> -> memref<128xi32, #tpu.memory_space<vmem>>
    %dma_start3A_49 = arith.constant 0 : i32
    %dma_start3A_50 = arith.constant 0 : i32
    %dma_start3A_51 = tpu.memref_slice %arg4[%dma_start3A_49, %dma_start3A_50] : memref<1000000x32xf32, #tpu.memory_space<hbm>> -> memref<1000000x32xf32, #tpu.memory_space<hbm>>
    tpu.enqueue_indirect_dma source(%dma_start3A_51 : memref<1000000x32xf32, #tpu.memory_space<hbm>>) target(%dma_start3A_45 : memref<128x32xf32, #tpu.memory_space<vmem>>) offsets(%dma_start3A_48 : memref<128xi32, #tpu.memory_space<vmem>>) semaphore(%arg20 : memref<!tpu.dma_semaphore, #tpu.memory_space<semaphore_mem>>)
    %dma_start3A_52 = arith.constant 1 : i32
    %dma_start3A_53 = arith.constant 128 : i32
    %dma_start3A_54 = arith.constant 0 : i32
    %dma_start3A_55 = tpu.memref_slice %arg16[%dma_start3A_53, %dma_start3A_54] : memref<512x32xf32, #tpu.memory_space<vmem>> -> memref<128x32xf32, #tpu.memory_space<vmem>>
    %dma_start3A_56 = arith.constant 0 : i32
    %dma_start3A_57 = tpu.memref_slice %arg14[%dma_start3A_52, %dma_start3A_56] : memref<4x128xi32, #tpu.memory_space<vmem>> -> memref<1x128xi32, #tpu.memory_space<vmem>>
    %dma_start3A_58 = tpu.memref_squeeze %dma_start3A_57 : memref<1x128xi32, #tpu.memory_space<vmem>> -> memref<128xi32, #tpu.memory_space<vmem>>
    %dma_start3A_59 = arith.constant 0 : i32
    %dma_start3A_60 = arith.constant 0 : i32
    %dma_start3A_61 = tpu.memref_slice %arg5[%dma_start3A_59, %dma_start3A_60] : memref<100000x32xf32, #tpu.memory_space<hbm>> -> memref<100000x32xf32, #tpu.memory_space<hbm>>
    tpu.enqueue_indirect_dma source(%dma_start3A_61 : memref<100000x32xf32, #tpu.memory_space<hbm>>) target(%dma_start3A_55 : memref<128x32xf32, #tpu.memory_space<vmem>>) offsets(%dma_start3A_58 : memref<128xi32, #tpu.memory_space<vmem>>) semaphore(%arg20 : memref<!tpu.dma_semaphore, #tpu.memory_space<semaphore_mem>>)
    %dma_start3A_62 = arith.constant 1 : i32
    %dma_start3A_63 = arith.constant 128 : i32
    %dma_start3A_64 = tpu.memref_slice %arg17[%dma_start3A_63] : memref<512xf32, #tpu.memory_space<vmem>> -> memref<128xf32, #tpu.memory_space<vmem>>
    %dma_start3A_65 = arith.constant 0 : i32
    %dma_start3A_66 = tpu.memref_slice %arg13[%dma_start3A_62, %dma_start3A_65] : memref<4x128xi32, #tpu.memory_space<vmem>> -> memref<1x128xi32, #tpu.memory_space<vmem>>
    %dma_start3A_67 = tpu.memref_squeeze %dma_start3A_66 : memref<1x128xi32, #tpu.memory_space<vmem>> -> memref<128xi32, #tpu.memory_space<vmem>>
    %dma_start3A_68 = arith.constant 0 : i32
    %dma_start3A_69 = tpu.memref_slice %arg6[%dma_start3A_68] : memref<1000000xf32, #tpu.memory_space<hbm>> -> memref<1000000xf32, #tpu.memory_space<hbm>>
    tpu.enqueue_indirect_dma source(%dma_start3A_69 : memref<1000000xf32, #tpu.memory_space<hbm>>) target(%dma_start3A_64 : memref<128xf32, #tpu.memory_space<vmem>>) offsets(%dma_start3A_67 : memref<128xi32, #tpu.memory_space<vmem>>) semaphore(%arg20 : memref<!tpu.dma_semaphore, #tpu.memory_space<semaphore_mem>>)
    %dma_start3A_70 = arith.constant 1 : i32
    %dma_start3A_71 = arith.constant 128 : i32
    %dma_start3A_72 = tpu.memref_slice %arg18[%dma_start3A_71] : memref<512xf32, #tpu.memory_space<vmem>> -> memref<128xf32, #tpu.memory_space<vmem>>
    %dma_start3A_73 = arith.constant 0 : i32
    %dma_start3A_74 = tpu.memref_slice %arg14[%dma_start3A_70, %dma_start3A_73] : memref<4x128xi32, #tpu.memory_space<vmem>> -> memref<1x128xi32, #tpu.memory_space<vmem>>
    %dma_start3A_75 = tpu.memref_squeeze %dma_start3A_74 : memref<1x128xi32, #tpu.memory_space<vmem>> -> memref<128xi32, #tpu.memory_space<vmem>>
    %dma_start3A_76 = arith.constant 0 : i32
    %dma_start3A_77 = tpu.memref_slice %arg7[%dma_start3A_76] : memref<100000xf32, #tpu.memory_space<hbm>> -> memref<100000xf32, #tpu.memory_space<hbm>>
    tpu.enqueue_indirect_dma source(%dma_start3A_77 : memref<100000xf32, #tpu.memory_space<hbm>>) target(%dma_start3A_72 : memref<128xf32, #tpu.memory_space<vmem>>) offsets(%dma_start3A_75 : memref<128xi32, #tpu.memory_space<vmem>>) semaphore(%arg20 : memref<!tpu.dma_semaphore, #tpu.memory_space<semaphore_mem>>)
    %dma_start3A_78 = arith.constant 2 : i32
    %dma_start3A_79 = arith.constant 256 : i32
    %dma_start3A_80 = arith.constant 0 : i32
    %dma_start3A_81 = tpu.memref_slice %arg15[%dma_start3A_79, %dma_start3A_80] : memref<512x32xf32, #tpu.memory_space<vmem>> -> memref<128x32xf32, #tpu.memory_space<vmem>>
    %dma_start3A_82 = arith.constant 0 : i32
    %dma_start3A_83 = tpu.memref_slice %arg13[%dma_start3A_78, %dma_start3A_82] : memref<4x128xi32, #tpu.memory_space<vmem>> -> memref<1x128xi32, #tpu.memory_space<vmem>>
    %dma_start3A_84 = tpu.memref_squeeze %dma_start3A_83 : memref<1x128xi32, #tpu.memory_space<vmem>> -> memref<128xi32, #tpu.memory_space<vmem>>
    %dma_start3A_85 = arith.constant 0 : i32
    %dma_start3A_86 = arith.constant 0 : i32
    %dma_start3A_87 = tpu.memref_slice %arg4[%dma_start3A_85, %dma_start3A_86] : memref<1000000x32xf32, #tpu.memory_space<hbm>> -> memref<1000000x32xf32, #tpu.memory_space<hbm>>
    tpu.enqueue_indirect_dma source(%dma_start3A_87 : memref<1000000x32xf32, #tpu.memory_space<hbm>>) target(%dma_start3A_81 : memref<128x32xf32, #tpu.memory_space<vmem>>) offsets(%dma_start3A_84 : memref<128xi32, #tpu.memory_space<vmem>>) semaphore(%arg20 : memref<!tpu.dma_semaphore, #tpu.memory_space<semaphore_mem>>)
    %dma_start3A_88 = arith.constant 2 : i32
    %dma_start3A_89 = arith.constant 256 : i32
    %dma_start3A_90 = arith.constant 0 : i32
    %dma_start3A_91 = tpu.memref_slice %arg16[%dma_start3A_89, %dma_start3A_90] : memref<512x32xf32, #tpu.memory_space<vmem>> -> memref<128x32xf32, #tpu.memory_space<vmem>>
    %dma_start3A_92 = arith.constant 0 : i32
    %dma_start3A_93 = tpu.memref_slice %arg14[%dma_start3A_88, %dma_start3A_92] : memref<4x128xi32, #tpu.memory_space<vmem>> -> memref<1x128xi32, #tpu.memory_space<vmem>>
    %dma_start3A_94 = tpu.memref_squeeze %dma_start3A_93 : memref<1x128xi32, #tpu.memory_space<vmem>> -> memref<128xi32, #tpu.memory_space<vmem>>
    %dma_start3A_95 = arith.constant 0 : i32
    %dma_start3A_96 = arith.constant 0 : i32
    %dma_start3A_97 = tpu.memref_slice %arg5[%dma_start3A_95, %dma_start3A_96] : memref<100000x32xf32, #tpu.memory_space<hbm>> -> memref<100000x32xf32, #tpu.memory_space<hbm>>
    tpu.enqueue_indirect_dma source(%dma_start3A_97 : memref<100000x32xf32, #tpu.memory_space<hbm>>) target(%dma_start3A_91 : memref<128x32xf32, #tpu.memory_space<vmem>>) offsets(%dma_start3A_94 : memref<128xi32, #tpu.memory_space<vmem>>) semaphore(%arg20 : memref<!tpu.dma_semaphore, #tpu.memory_space<semaphore_mem>>)
    %dma_start3A_98 = arith.constant 2 : i32
    %dma_start3A_99 = arith.constant 256 : i32
    %dma_start3A_100 = tpu.memref_slice %arg17[%dma_start3A_99] : memref<512xf32, #tpu.memory_space<vmem>> -> memref<128xf32, #tpu.memory_space<vmem>>
    %dma_start3A_101 = arith.constant 0 : i32
    %dma_start3A_102 = tpu.memref_slice %arg13[%dma_start3A_98, %dma_start3A_101] : memref<4x128xi32, #tpu.memory_space<vmem>> -> memref<1x128xi32, #tpu.memory_space<vmem>>
    %dma_start3A_103 = tpu.memref_squeeze %dma_start3A_102 : memref<1x128xi32, #tpu.memory_space<vmem>> -> memref<128xi32, #tpu.memory_space<vmem>>
    %dma_start3A_104 = arith.constant 0 : i32
    %dma_start3A_105 = tpu.memref_slice %arg6[%dma_start3A_104] : memref<1000000xf32, #tpu.memory_space<hbm>> -> memref<1000000xf32, #tpu.memory_space<hbm>>
    tpu.enqueue_indirect_dma source(%dma_start3A_105 : memref<1000000xf32, #tpu.memory_space<hbm>>) target(%dma_start3A_100 : memref<128xf32, #tpu.memory_space<vmem>>) offsets(%dma_start3A_103 : memref<128xi32, #tpu.memory_space<vmem>>) semaphore(%arg20 : memref<!tpu.dma_semaphore, #tpu.memory_space<semaphore_mem>>)
    %dma_start3A_106 = arith.constant 2 : i32
    %dma_start3A_107 = arith.constant 256 : i32
    %dma_start3A_108 = tpu.memref_slice %arg18[%dma_start3A_107] : memref<512xf32, #tpu.memory_space<vmem>> -> memref<128xf32, #tpu.memory_space<vmem>>
    %dma_start3A_109 = arith.constant 0 : i32
    %dma_start3A_110 = tpu.memref_slice %arg14[%dma_start3A_106, %dma_start3A_109] : memref<4x128xi32, #tpu.memory_space<vmem>> -> memref<1x128xi32, #tpu.memory_space<vmem>>
    %dma_start3A_111 = tpu.memref_squeeze %dma_start3A_110 : memref<1x128xi32, #tpu.memory_space<vmem>> -> memref<128xi32, #tpu.memory_space<vmem>>
    %dma_start3A_112 = arith.constant 0 : i32
    %dma_start3A_113 = tpu.memref_slice %arg7[%dma_start3A_112] : memref<100000xf32, #tpu.memory_space<hbm>> -> memref<100000xf32, #tpu.memory_space<hbm>>
    tpu.enqueue_indirect_dma source(%dma_start3A_113 : memref<100000xf32, #tpu.memory_space<hbm>>) target(%dma_start3A_108 : memref<128xf32, #tpu.memory_space<vmem>>) offsets(%dma_start3A_111 : memref<128xi32, #tpu.memory_space<vmem>>) semaphore(%arg20 : memref<!tpu.dma_semaphore, #tpu.memory_space<semaphore_mem>>)
    %dma_start3A_114 = arith.constant 3 : i32
    %dma_start3A_115 = arith.constant 384 : i32
    %dma_start3A_116 = arith.constant 0 : i32
    %dma_start3A_117 = tpu.memref_slice %arg15[%dma_start3A_115, %dma_start3A_116] : memref<512x32xf32, #tpu.memory_space<vmem>> -> memref<128x32xf32, #tpu.memory_space<vmem>>
    %dma_start3A_118 = arith.constant 0 : i32
    %dma_start3A_119 = tpu.memref_slice %arg13[%dma_start3A_114, %dma_start3A_118] : memref<4x128xi32, #tpu.memory_space<vmem>> -> memref<1x128xi32, #tpu.memory_space<vmem>>
    %dma_start3A_120 = tpu.memref_squeeze %dma_start3A_119 : memref<1x128xi32, #tpu.memory_space<vmem>> -> memref<128xi32, #tpu.memory_space<vmem>>
    %dma_start3A_121 = arith.constant 0 : i32
    %dma_start3A_122 = arith.constant 0 : i32
    %dma_start3A_123 = tpu.memref_slice %arg4[%dma_start3A_121, %dma_start3A_122] : memref<1000000x32xf32, #tpu.memory_space<hbm>> -> memref<1000000x32xf32, #tpu.memory_space<hbm>>
    tpu.enqueue_indirect_dma source(%dma_start3A_123 : memref<1000000x32xf32, #tpu.memory_space<hbm>>) target(%dma_start3A_117 : memref<128x32xf32, #tpu.memory_space<vmem>>) offsets(%dma_start3A_120 : memref<128xi32, #tpu.memory_space<vmem>>) semaphore(%arg20 : memref<!tpu.dma_semaphore, #tpu.memory_space<semaphore_mem>>)
    %dma_start3A_124 = arith.constant 3 : i32
    %dma_start3A_125 = arith.constant 384 : i32
    %dma_start3A_126 = arith.constant 0 : i32
    %dma_start3A_127 = tpu.memref_slice %arg16[%dma_start3A_125, %dma_start3A_126] : memref<512x32xf32, #tpu.memory_space<vmem>> -> memref<128x32xf32, #tpu.memory_space<vmem>>
    %dma_start3A_128 = arith.constant 0 : i32
    %dma_start3A_129 = tpu.memref_slice %arg14[%dma_start3A_124, %dma_start3A_128] : memref<4x128xi32, #tpu.memory_space<vmem>> -> memref<1x128xi32, #tpu.memory_space<vmem>>
    %dma_start3A_130 = tpu.memref_squeeze %dma_start3A_129 : memref<1x128xi32, #tpu.memory_space<vmem>> -> memref<128xi32, #tpu.memory_space<vmem>>
    %dma_start3A_131 = arith.constant 0 : i32
    %dma_start3A_132 = arith.constant 0 : i32
    %dma_start3A_133 = tpu.memref_slice %arg5[%dma_start3A_131, %dma_start3A_132] : memref<100000x32xf32, #tpu.memory_space<hbm>> -> memref<100000x32xf32, #tpu.memory_space<hbm>>
    tpu.enqueue_indirect_dma source(%dma_start3A_133 : memref<100000x32xf32, #tpu.memory_space<hbm>>) target(%dma_start3A_127 : memref<128x32xf32, #tpu.memory_space<vmem>>) offsets(%dma_start3A_130 : memref<128xi32, #tpu.memory_space<vmem>>) semaphore(%arg20 : memref<!tpu.dma_semaphore, #tpu.memory_space<semaphore_mem>>)
    %dma_start3A_134 = arith.constant 3 : i32
    %dma_start3A_135 = arith.constant 384 : i32
    %dma_start3A_136 = tpu.memref_slice %arg17[%dma_start3A_135] : memref<512xf32, #tpu.memory_space<vmem>> -> memref<128xf32, #tpu.memory_space<vmem>>
    %dma_start3A_137 = arith.constant 0 : i32
    %dma_start3A_138 = tpu.memref_slice %arg13[%dma_start3A_134, %dma_start3A_137] : memref<4x128xi32, #tpu.memory_space<vmem>> -> memref<1x128xi32, #tpu.memory_space<vmem>>
    %dma_start3A_139 = tpu.memref_squeeze %dma_start3A_138 : memref<1x128xi32, #tpu.memory_space<vmem>> -> memref<128xi32, #tpu.memory_space<vmem>>
    %dma_start3A_140 = arith.constant 0 : i32
    %dma_start3A_141 = tpu.memref_slice %arg6[%dma_start3A_140] : memref<1000000xf32, #tpu.memory_space<hbm>> -> memref<1000000xf32, #tpu.memory_space<hbm>>
    tpu.enqueue_indirect_dma source(%dma_start3A_141 : memref<1000000xf32, #tpu.memory_space<hbm>>) target(%dma_start3A_136 : memref<128xf32, #tpu.memory_space<vmem>>) offsets(%dma_start3A_139 : memref<128xi32, #tpu.memory_space<vmem>>) semaphore(%arg20 : memref<!tpu.dma_semaphore, #tpu.memory_space<semaphore_mem>>)
    %dma_start3A_142 = arith.constant 3 : i32
    %dma_start3A_143 = arith.constant 384 : i32
    %dma_start3A_144 = tpu.memref_slice %arg18[%dma_start3A_143] : memref<512xf32, #tpu.memory_space<vmem>> -> memref<128xf32, #tpu.memory_space<vmem>>
    %dma_start3A_145 = arith.constant 0 : i32
    %dma_start3A_146 = tpu.memref_slice %arg14[%dma_start3A_142, %dma_start3A_145] : memref<4x128xi32, #tpu.memory_space<vmem>> -> memref<1x128xi32, #tpu.memory_space<vmem>>
    %dma_start3A_147 = tpu.memref_squeeze %dma_start3A_146 : memref<1x128xi32, #tpu.memory_space<vmem>> -> memref<128xi32, #tpu.memory_space<vmem>>
    %dma_start3A_148 = arith.constant 0 : i32
    %dma_start3A_149 = tpu.memref_slice %arg7[%dma_start3A_148] : memref<100000xf32, #tpu.memory_space<hbm>> -> memref<100000xf32, #tpu.memory_space<hbm>>
    tpu.enqueue_indirect_dma source(%dma_start3A_149 : memref<100000xf32, #tpu.memory_space<hbm>>) target(%dma_start3A_144 : memref<128xf32, #tpu.memory_space<vmem>>) offsets(%dma_start3A_147 : memref<128xi32, #tpu.memory_space<vmem>>) semaphore(%arg20 : memref<!tpu.dma_semaphore, #tpu.memory_space<semaphore_mem>>)
    %dma_wait3A = arith.constant 0 : i32
    %dma_wait3A_150 = arith.constant 0 : i32
    %dma_wait3A_151 = arith.constant 0 : i32
    %dma_wait3A_152 = tpu.memref_slice %arg15[%dma_wait3A_150, %dma_wait3A_151] : memref<512x32xf32, #tpu.memory_space<vmem>> -> memref<128x32xf32, #tpu.memory_space<vmem>>
    %dma_wait3A_153 = arith.constant 0 : i32
    %dma_wait3A_154 = tpu.memref_slice %arg13[%dma_wait3A, %dma_wait3A_153] : memref<4x128xi32, #tpu.memory_space<vmem>> -> memref<1x128xi32, #tpu.memory_space<vmem>>
    %dma_wait3A_155 = tpu.memref_squeeze %dma_wait3A_154 : memref<1x128xi32, #tpu.memory_space<vmem>> -> memref<128xi32, #tpu.memory_space<vmem>>
    %dma_wait3A_156 = arith.constant 0 : i32
    %dma_wait3A_157 = arith.constant 0 : i32
    %dma_wait3A_158 = tpu.memref_slice %arg4[%dma_wait3A_156, %dma_wait3A_157] : memref<1000000x32xf32, #tpu.memory_space<hbm>> -> memref<1000000x32xf32, #tpu.memory_space<hbm>>
    tpu.wait_indirect_dma semaphore(%arg20 : memref<!tpu.dma_semaphore, #tpu.memory_space<semaphore_mem>>) src(%dma_wait3A_158 : memref<1000000x32xf32, #tpu.memory_space<hbm>>) dst(%dma_wait3A_152 : memref<128x32xf32, #tpu.memory_space<vmem>>)
    %dma_wait3A_159 = arith.constant 0 : i32
    %dma_wait3A_160 = arith.constant 0 : i32
    %dma_wait3A_161 = arith.constant 0 : i32
    %dma_wait3A_162 = tpu.memref_slice %arg16[%dma_wait3A_160, %dma_wait3A_161] : memref<512x32xf32, #tpu.memory_space<vmem>> -> memref<128x32xf32, #tpu.memory_space<vmem>>
    %dma_wait3A_163 = arith.constant 0 : i32
    %dma_wait3A_164 = tpu.memref_slice %arg14[%dma_wait3A_159, %dma_wait3A_163] : memref<4x128xi32, #tpu.memory_space<vmem>> -> memref<1x128xi32, #tpu.memory_space<vmem>>
    %dma_wait3A_165 = tpu.memref_squeeze %dma_wait3A_164 : memref<1x128xi32, #tpu.memory_space<vmem>> -> memref<128xi32, #tpu.memory_space<vmem>>
    %dma_wait3A_166 = arith.constant 0 : i32
    %dma_wait3A_167 = arith.constant 0 : i32
    %dma_wait3A_168 = tpu.memref_slice %arg5[%dma_wait3A_166, %dma_wait3A_167] : memref<100000x32xf32, #tpu.memory_space<hbm>> -> memref<100000x32xf32, #tpu.memory_space<hbm>>
    tpu.wait_indirect_dma semaphore(%arg20 : memref<!tpu.dma_semaphore, #tpu.memory_space<semaphore_mem>>) src(%dma_wait3A_168 : memref<100000x32xf32, #tpu.memory_space<hbm>>) dst(%dma_wait3A_162 : memref<128x32xf32, #tpu.memory_space<vmem>>)
    %dma_wait3A_169 = arith.constant 0 : i32
    %dma_wait3A_170 = arith.constant 0 : i32
    %dma_wait3A_171 = tpu.memref_slice %arg17[%dma_wait3A_170] : memref<512xf32, #tpu.memory_space<vmem>> -> memref<128xf32, #tpu.memory_space<vmem>>
    %dma_wait3A_172 = arith.constant 0 : i32
    %dma_wait3A_173 = tpu.memref_slice %arg13[%dma_wait3A_169, %dma_wait3A_172] : memref<4x128xi32, #tpu.memory_space<vmem>> -> memref<1x128xi32, #tpu.memory_space<vmem>>
    %dma_wait3A_174 = tpu.memref_squeeze %dma_wait3A_173 : memref<1x128xi32, #tpu.memory_space<vmem>> -> memref<128xi32, #tpu.memory_space<vmem>>
    %dma_wait3A_175 = arith.constant 0 : i32
    %dma_wait3A_176 = tpu.memref_slice %arg6[%dma_wait3A_175] : memref<1000000xf32, #tpu.memory_space<hbm>> -> memref<1000000xf32, #tpu.memory_space<hbm>>
    tpu.wait_indirect_dma semaphore(%arg20 : memref<!tpu.dma_semaphore, #tpu.memory_space<semaphore_mem>>) src(%dma_wait3A_176 : memref<1000000xf32, #tpu.memory_space<hbm>>) dst(%dma_wait3A_171 : memref<128xf32, #tpu.memory_space<vmem>>)
    %dma_wait3A_177 = arith.constant 0 : i32
    %dma_wait3A_178 = arith.constant 0 : i32
    %dma_wait3A_179 = tpu.memref_slice %arg18[%dma_wait3A_178] : memref<512xf32, #tpu.memory_space<vmem>> -> memref<128xf32, #tpu.memory_space<vmem>>
    %dma_wait3A_180 = arith.constant 0 : i32
    %dma_wait3A_181 = tpu.memref_slice %arg14[%dma_wait3A_177, %dma_wait3A_180] : memref<4x128xi32, #tpu.memory_space<vmem>> -> memref<1x128xi32, #tpu.memory_space<vmem>>
    %dma_wait3A_182 = tpu.memref_squeeze %dma_wait3A_181 : memref<1x128xi32, #tpu.memory_space<vmem>> -> memref<128xi32, #tpu.memory_space<vmem>>
    %dma_wait3A_183 = arith.constant 0 : i32
    %dma_wait3A_184 = tpu.memref_slice %arg7[%dma_wait3A_183] : memref<100000xf32, #tpu.memory_space<hbm>> -> memref<100000xf32, #tpu.memory_space<hbm>>
    tpu.wait_indirect_dma semaphore(%arg20 : memref<!tpu.dma_semaphore, #tpu.memory_space<semaphore_mem>>) src(%dma_wait3A_184 : memref<100000xf32, #tpu.memory_space<hbm>>) dst(%dma_wait3A_179 : memref<128xf32, #tpu.memory_space<vmem>>)
    %dma_wait3A_185 = arith.constant 1 : i32
    %dma_wait3A_186 = arith.constant 128 : i32
    %dma_wait3A_187 = arith.constant 0 : i32
    %dma_wait3A_188 = tpu.memref_slice %arg15[%dma_wait3A_186, %dma_wait3A_187] : memref<512x32xf32, #tpu.memory_space<vmem>> -> memref<128x32xf32, #tpu.memory_space<vmem>>
    %dma_wait3A_189 = arith.constant 0 : i32
    %dma_wait3A_190 = tpu.memref_slice %arg13[%dma_wait3A_185, %dma_wait3A_189] : memref<4x128xi32, #tpu.memory_space<vmem>> -> memref<1x128xi32, #tpu.memory_space<vmem>>
    %dma_wait3A_191 = tpu.memref_squeeze %dma_wait3A_190 : memref<1x128xi32, #tpu.memory_space<vmem>> -> memref<128xi32, #tpu.memory_space<vmem>>
    %dma_wait3A_192 = arith.constant 0 : i32
    %dma_wait3A_193 = arith.constant 0 : i32
    %dma_wait3A_194 = tpu.memref_slice %arg4[%dma_wait3A_192, %dma_wait3A_193] : memref<1000000x32xf32, #tpu.memory_space<hbm>> -> memref<1000000x32xf32, #tpu.memory_space<hbm>>
    tpu.wait_indirect_dma semaphore(%arg20 : memref<!tpu.dma_semaphore, #tpu.memory_space<semaphore_mem>>) src(%dma_wait3A_194 : memref<1000000x32xf32, #tpu.memory_space<hbm>>) dst(%dma_wait3A_188 : memref<128x32xf32, #tpu.memory_space<vmem>>)
    %dma_wait3A_195 = arith.constant 1 : i32
    %dma_wait3A_196 = arith.constant 128 : i32
    %dma_wait3A_197 = arith.constant 0 : i32
    %dma_wait3A_198 = tpu.memref_slice %arg16[%dma_wait3A_196, %dma_wait3A_197] : memref<512x32xf32, #tpu.memory_space<vmem>> -> memref<128x32xf32, #tpu.memory_space<vmem>>
    %dma_wait3A_199 = arith.constant 0 : i32
    %dma_wait3A_200 = tpu.memref_slice %arg14[%dma_wait3A_195, %dma_wait3A_199] : memref<4x128xi32, #tpu.memory_space<vmem>> -> memref<1x128xi32, #tpu.memory_space<vmem>>
    %dma_wait3A_201 = tpu.memref_squeeze %dma_wait3A_200 : memref<1x128xi32, #tpu.memory_space<vmem>> -> memref<128xi32, #tpu.memory_space<vmem>>
    %dma_wait3A_202 = arith.constant 0 : i32
    %dma_wait3A_203 = arith.constant 0 : i32
    %dma_wait3A_204 = tpu.memref_slice %arg5[%dma_wait3A_202, %dma_wait3A_203] : memref<100000x32xf32, #tpu.memory_space<hbm>> -> memref<100000x32xf32, #tpu.memory_space<hbm>>
    tpu.wait_indirect_dma semaphore(%arg20 : memref<!tpu.dma_semaphore, #tpu.memory_space<semaphore_mem>>) src(%dma_wait3A_204 : memref<100000x32xf32, #tpu.memory_space<hbm>>) dst(%dma_wait3A_198 : memref<128x32xf32, #tpu.memory_space<vmem>>)
    %dma_wait3A_205 = arith.constant 1 : i32
    %dma_wait3A_206 = arith.constant 128 : i32
    %dma_wait3A_207 = tpu.memref_slice %arg17[%dma_wait3A_206] : memref<512xf32, #tpu.memory_space<vmem>> -> memref<128xf32, #tpu.memory_space<vmem>>
    %dma_wait3A_208 = arith.constant 0 : i32
    %dma_wait3A_209 = tpu.memref_slice %arg13[%dma_wait3A_205, %dma_wait3A_208] : memref<4x128xi32, #tpu.memory_space<vmem>> -> memref<1x128xi32, #tpu.memory_space<vmem>>
    %dma_wait3A_210 = tpu.memref_squeeze %dma_wait3A_209 : memref<1x128xi32, #tpu.memory_space<vmem>> -> memref<128xi32, #tpu.memory_space<vmem>>
    %dma_wait3A_211 = arith.constant 0 : i32
    %dma_wait3A_212 = tpu.memref_slice %arg6[%dma_wait3A_211] : memref<1000000xf32, #tpu.memory_space<hbm>> -> memref<1000000xf32, #tpu.memory_space<hbm>>
    tpu.wait_indirect_dma semaphore(%arg20 : memref<!tpu.dma_semaphore, #tpu.memory_space<semaphore_mem>>) src(%dma_wait3A_212 : memref<1000000xf32, #tpu.memory_space<hbm>>) dst(%dma_wait3A_207 : memref<128xf32, #tpu.memory_space<vmem>>)
    %dma_wait3A_213 = arith.constant 1 : i32
    %dma_wait3A_214 = arith.constant 128 : i32
    %dma_wait3A_215 = tpu.memref_slice %arg18[%dma_wait3A_214] : memref<512xf32, #tpu.memory_space<vmem>> -> memref<128xf32, #tpu.memory_space<vmem>>
    %dma_wait3A_216 = arith.constant 0 : i32
    %dma_wait3A_217 = tpu.memref_slice %arg14[%dma_wait3A_213, %dma_wait3A_216] : memref<4x128xi32, #tpu.memory_space<vmem>> -> memref<1x128xi32, #tpu.memory_space<vmem>>
    %dma_wait3A_218 = tpu.memref_squeeze %dma_wait3A_217 : memref<1x128xi32, #tpu.memory_space<vmem>> -> memref<128xi32, #tpu.memory_space<vmem>>
    %dma_wait3A_219 = arith.constant 0 : i32
    %dma_wait3A_220 = tpu.memref_slice %arg7[%dma_wait3A_219] : memref<100000xf32, #tpu.memory_space<hbm>> -> memref<100000xf32, #tpu.memory_space<hbm>>
    tpu.wait_indirect_dma semaphore(%arg20 : memref<!tpu.dma_semaphore, #tpu.memory_space<semaphore_mem>>) src(%dma_wait3A_220 : memref<100000xf32, #tpu.memory_space<hbm>>) dst(%dma_wait3A_215 : memref<128xf32, #tpu.memory_space<vmem>>)
    %dma_wait3A_221 = arith.constant 2 : i32
    %dma_wait3A_222 = arith.constant 256 : i32
    %dma_wait3A_223 = arith.constant 0 : i32
    %dma_wait3A_224 = tpu.memref_slice %arg15[%dma_wait3A_222, %dma_wait3A_223] : memref<512x32xf32, #tpu.memory_space<vmem>> -> memref<128x32xf32, #tpu.memory_space<vmem>>
    %dma_wait3A_225 = arith.constant 0 : i32
    %dma_wait3A_226 = tpu.memref_slice %arg13[%dma_wait3A_221, %dma_wait3A_225] : memref<4x128xi32, #tpu.memory_space<vmem>> -> memref<1x128xi32, #tpu.memory_space<vmem>>
    %dma_wait3A_227 = tpu.memref_squeeze %dma_wait3A_226 : memref<1x128xi32, #tpu.memory_space<vmem>> -> memref<128xi32, #tpu.memory_space<vmem>>
    %dma_wait3A_228 = arith.constant 0 : i32
    %dma_wait3A_229 = arith.constant 0 : i32
    %dma_wait3A_230 = tpu.memref_slice %arg4[%dma_wait3A_228, %dma_wait3A_229] : memref<1000000x32xf32, #tpu.memory_space<hbm>> -> memref<1000000x32xf32, #tpu.memory_space<hbm>>
    tpu.wait_indirect_dma semaphore(%arg20 : memref<!tpu.dma_semaphore, #tpu.memory_space<semaphore_mem>>) src(%dma_wait3A_230 : memref<1000000x32xf32, #tpu.memory_space<hbm>>) dst(%dma_wait3A_224 : memref<128x32xf32, #tpu.memory_space<vmem>>)
    %dma_wait3A_231 = arith.constant 2 : i32
    %dma_wait3A_232 = arith.constant 256 : i32
    %dma_wait3A_233 = arith.constant 0 : i32
    %dma_wait3A_234 = tpu.memref_slice %arg16[%dma_wait3A_232, %dma_wait3A_233] : memref<512x32xf32, #tpu.memory_space<vmem>> -> memref<128x32xf32, #tpu.memory_space<vmem>>
    %dma_wait3A_235 = arith.constant 0 : i32
    %dma_wait3A_236 = tpu.memref_slice %arg14[%dma_wait3A_231, %dma_wait3A_235] : memref<4x128xi32, #tpu.memory_space<vmem>> -> memref<1x128xi32, #tpu.memory_space<vmem>>
    %dma_wait3A_237 = tpu.memref_squeeze %dma_wait3A_236 : memref<1x128xi32, #tpu.memory_space<vmem>> -> memref<128xi32, #tpu.memory_space<vmem>>
    %dma_wait3A_238 = arith.constant 0 : i32
    %dma_wait3A_239 = arith.constant 0 : i32
    %dma_wait3A_240 = tpu.memref_slice %arg5[%dma_wait3A_238, %dma_wait3A_239] : memref<100000x32xf32, #tpu.memory_space<hbm>> -> memref<100000x32xf32, #tpu.memory_space<hbm>>
    tpu.wait_indirect_dma semaphore(%arg20 : memref<!tpu.dma_semaphore, #tpu.memory_space<semaphore_mem>>) src(%dma_wait3A_240 : memref<100000x32xf32, #tpu.memory_space<hbm>>) dst(%dma_wait3A_234 : memref<128x32xf32, #tpu.memory_space<vmem>>)
    %dma_wait3A_241 = arith.constant 2 : i32
    %dma_wait3A_242 = arith.constant 256 : i32
    %dma_wait3A_243 = tpu.memref_slice %arg17[%dma_wait3A_242] : memref<512xf32, #tpu.memory_space<vmem>> -> memref<128xf32, #tpu.memory_space<vmem>>
    %dma_wait3A_244 = arith.constant 0 : i32
    %dma_wait3A_245 = tpu.memref_slice %arg13[%dma_wait3A_241, %dma_wait3A_244] : memref<4x128xi32, #tpu.memory_space<vmem>> -> memref<1x128xi32, #tpu.memory_space<vmem>>
    %dma_wait3A_246 = tpu.memref_squeeze %dma_wait3A_245 : memref<1x128xi32, #tpu.memory_space<vmem>> -> memref<128xi32, #tpu.memory_space<vmem>>
    %dma_wait3A_247 = arith.constant 0 : i32
    %dma_wait3A_248 = tpu.memref_slice %arg6[%dma_wait3A_247] : memref<1000000xf32, #tpu.memory_space<hbm>> -> memref<1000000xf32, #tpu.memory_space<hbm>>
    tpu.wait_indirect_dma semaphore(%arg20 : memref<!tpu.dma_semaphore, #tpu.memory_space<semaphore_mem>>) src(%dma_wait3A_248 : memref<1000000xf32, #tpu.memory_space<hbm>>) dst(%dma_wait3A_243 : memref<128xf32, #tpu.memory_space<vmem>>)
    %dma_wait3A_249 = arith.constant 2 : i32
    %dma_wait3A_250 = arith.constant 256 : i32
    %dma_wait3A_251 = tpu.memref_slice %arg18[%dma_wait3A_250] : memref<512xf32, #tpu.memory_space<vmem>> -> memref<128xf32, #tpu.memory_space<vmem>>
    %dma_wait3A_252 = arith.constant 0 : i32
    %dma_wait3A_253 = tpu.memref_slice %arg14[%dma_wait3A_249, %dma_wait3A_252] : memref<4x128xi32, #tpu.memory_space<vmem>> -> memref<1x128xi32, #tpu.memory_space<vmem>>
    %dma_wait3A_254 = tpu.memref_squeeze %dma_wait3A_253 : memref<1x128xi32, #tpu.memory_space<vmem>> -> memref<128xi32, #tpu.memory_space<vmem>>
    %dma_wait3A_255 = arith.constant 0 : i32
    %dma_wait3A_256 = tpu.memref_slice %arg7[%dma_wait3A_255] : memref<100000xf32, #tpu.memory_space<hbm>> -> memref<100000xf32, #tpu.memory_space<hbm>>
    tpu.wait_indirect_dma semaphore(%arg20 : memref<!tpu.dma_semaphore, #tpu.memory_space<semaphore_mem>>) src(%dma_wait3A_256 : memref<100000xf32, #tpu.memory_space<hbm>>) dst(%dma_wait3A_251 : memref<128xf32, #tpu.memory_space<vmem>>)
    %dma_wait3A_257 = arith.constant 3 : i32
    %dma_wait3A_258 = arith.constant 384 : i32
    %dma_wait3A_259 = arith.constant 0 : i32
    %dma_wait3A_260 = tpu.memref_slice %arg15[%dma_wait3A_258, %dma_wait3A_259] : memref<512x32xf32, #tpu.memory_space<vmem>> -> memref<128x32xf32, #tpu.memory_space<vmem>>
    %dma_wait3A_261 = arith.constant 0 : i32
    %dma_wait3A_262 = tpu.memref_slice %arg13[%dma_wait3A_257, %dma_wait3A_261] : memref<4x128xi32, #tpu.memory_space<vmem>> -> memref<1x128xi32, #tpu.memory_space<vmem>>
    %dma_wait3A_263 = tpu.memref_squeeze %dma_wait3A_262 : memref<1x128xi32, #tpu.memory_space<vmem>> -> memref<128xi32, #tpu.memory_space<vmem>>
    %dma_wait3A_264 = arith.constant 0 : i32
    %dma_wait3A_265 = arith.constant 0 : i32
    %dma_wait3A_266 = tpu.memref_slice %arg4[%dma_wait3A_264, %dma_wait3A_265] : memref<1000000x32xf32, #tpu.memory_space<hbm>> -> memref<1000000x32xf32, #tpu.memory_space<hbm>>
    tpu.wait_indirect_dma semaphore(%arg20 : memref<!tpu.dma_semaphore, #tpu.memory_space<semaphore_mem>>) src(%dma_wait3A_266 : memref<1000000x32xf32, #tpu.memory_space<hbm>>) dst(%dma_wait3A_260 : memref<128x32xf32, #tpu.memory_space<vmem>>)
    %dma_wait3A_267 = arith.constant 3 : i32
    %dma_wait3A_268 = arith.constant 384 : i32
    %dma_wait3A_269 = arith.constant 0 : i32
    %dma_wait3A_270 = tpu.memref_slice %arg16[%dma_wait3A_268, %dma_wait3A_269] : memref<512x32xf32, #tpu.memory_space<vmem>> -> memref<128x32xf32, #tpu.memory_space<vmem>>
    %dma_wait3A_271 = arith.constant 0 : i32
    %dma_wait3A_272 = tpu.memref_slice %arg14[%dma_wait3A_267, %dma_wait3A_271] : memref<4x128xi32, #tpu.memory_space<vmem>> -> memref<1x128xi32, #tpu.memory_space<vmem>>
    %dma_wait3A_273 = tpu.memref_squeeze %dma_wait3A_272 : memref<1x128xi32, #tpu.memory_space<vmem>> -> memref<128xi32, #tpu.memory_space<vmem>>
    %dma_wait3A_274 = arith.constant 0 : i32
    %dma_wait3A_275 = arith.constant 0 : i32
    %dma_wait3A_276 = tpu.memref_slice %arg5[%dma_wait3A_274, %dma_wait3A_275] : memref<100000x32xf32, #tpu.memory_space<hbm>> -> memref<100000x32xf32, #tpu.memory_space<hbm>>
    tpu.wait_indirect_dma semaphore(%arg20 : memref<!tpu.dma_semaphore, #tpu.memory_space<semaphore_mem>>) src(%dma_wait3A_276 : memref<100000x32xf32, #tpu.memory_space<hbm>>) dst(%dma_wait3A_270 : memref<128x32xf32, #tpu.memory_space<vmem>>)
    %dma_wait3A_277 = arith.constant 3 : i32
    %dma_wait3A_278 = arith.constant 384 : i32
    %dma_wait3A_279 = tpu.memref_slice %arg17[%dma_wait3A_278] : memref<512xf32, #tpu.memory_space<vmem>> -> memref<128xf32, #tpu.memory_space<vmem>>
    %dma_wait3A_280 = arith.constant 0 : i32
    %dma_wait3A_281 = tpu.memref_slice %arg13[%dma_wait3A_277, %dma_wait3A_280] : memref<4x128xi32, #tpu.memory_space<vmem>> -> memref<1x128xi32, #tpu.memory_space<vmem>>
    %dma_wait3A_282 = tpu.memref_squeeze %dma_wait3A_281 : memref<1x128xi32, #tpu.memory_space<vmem>> -> memref<128xi32, #tpu.memory_space<vmem>>
    %dma_wait3A_283 = arith.constant 0 : i32
    %dma_wait3A_284 = tpu.memref_slice %arg6[%dma_wait3A_283] : memref<1000000xf32, #tpu.memory_space<hbm>> -> memref<1000000xf32, #tpu.memory_space<hbm>>
    tpu.wait_indirect_dma semaphore(%arg20 : memref<!tpu.dma_semaphore, #tpu.memory_space<semaphore_mem>>) src(%dma_wait3A_284 : memref<1000000xf32, #tpu.memory_space<hbm>>) dst(%dma_wait3A_279 : memref<128xf32, #tpu.memory_space<vmem>>)
    %dma_wait3A_285 = arith.constant 3 : i32
    %dma_wait3A_286 = arith.constant 384 : i32
    %dma_wait3A_287 = tpu.memref_slice %arg18[%dma_wait3A_286] : memref<512xf32, #tpu.memory_space<vmem>> -> memref<128xf32, #tpu.memory_space<vmem>>
    %dma_wait3A_288 = arith.constant 0 : i32
    %dma_wait3A_289 = tpu.memref_slice %arg14[%dma_wait3A_285, %dma_wait3A_288] : memref<4x128xi32, #tpu.memory_space<vmem>> -> memref<1x128xi32, #tpu.memory_space<vmem>>
    %dma_wait3A_290 = tpu.memref_squeeze %dma_wait3A_289 : memref<1x128xi32, #tpu.memory_space<vmem>> -> memref<128xi32, #tpu.memory_space<vmem>>
    %dma_wait3A_291 = arith.constant 0 : i32
    %dma_wait3A_292 = tpu.memref_slice %arg7[%dma_wait3A_291] : memref<100000xf32, #tpu.memory_space<hbm>> -> memref<100000xf32, #tpu.memory_space<hbm>>
    tpu.wait_indirect_dma semaphore(%arg20 : memref<!tpu.dma_semaphore, #tpu.memory_space<semaphore_mem>>) src(%dma_wait3A_292 : memref<100000xf32, #tpu.memory_space<hbm>>) dst(%dma_wait3A_287 : memref<128xf32, #tpu.memory_space<vmem>>)
    %scan3A = arith.constant 0 : i32
    %scan3A_293 = arith.constant 0 : i32
    %scan3A_294 = arith.constant 32 : i32
    %scan3A_295 = arith.addi %scan3A_293, %scan3A_294 : i32
    %scan3A_296 = arith.constant 1 : i32
    scf.for %scan3A_298 = %scan3A_293 to %scan3A_295 step %scan3A_296  : i32 {
      %mul3A_299 = arith.constant 16 : i32
      %mul3A_300 = arith.muli %scan3A_298, %mul3A_299 : i32
      %iota3A = tpu.iota {dimensions = array<i32: 0>} : vector<16xi32>
      %add3A_301 = vector.broadcast %mul3A_300 : i32 to vector<16xi32>
      %add3A_302 = arith.addi %add3A_301, %iota3A : vector<16xi32>
      %broadcast_in_dim3A = arith.constant 0.000000e+00 : f32
      %broadcast_in_dim3A_303 = vector.broadcast %broadcast_in_dim3A : f32 to vector<16xf32>
      %broadcast_in_dim3A_304 = arith.constant 0 : i32
      %broadcast_in_dim3A_305 = vector.broadcast %broadcast_in_dim3A_304 : i32 to vector<16xi32>
      %gather3A = tpu.vector_load_idx %arg15[%add3A_302, %broadcast_in_dim3A_305] : memref<512x32xf32, #tpu.memory_space<vmem>>[vector<16xi32>, vector<16xi32>], vector<16xf32>,
      %gather3A_306 = tpu.vector_load_idx %arg16[%add3A_302, %broadcast_in_dim3A_305] : memref<512x32xf32, #tpu.memory_space<vmem>>[vector<16xi32>, vector<16xi32>], vector<16xf32>,
      %mul3A_307 = arith.mulf %gather3A, %gather3A_306 : vector<16xf32>
      %add3A_308 = arith.addf %broadcast_in_dim3A_303, %mul3A_307 : vector<16xf32>
      %broadcast_in_dim3A_309 = arith.constant 1 : i32
      %broadcast_in_dim3A_310 = vector.broadcast %broadcast_in_dim3A_309 : i32 to vector<16xi32>
      %gather3A_311 = tpu.vector_load_idx %arg15[%add3A_302, %broadcast_in_dim3A_310] : memref<512x32xf32, #tpu.memory_space<vmem>>[vector<16xi32>, vector<16xi32>], vector<16xf32>,
      %gather3A_312 = tpu.vector_load_idx %arg16[%add3A_302, %broadcast_in_dim3A_310] : memref<512x32xf32, #tpu.memory_space<vmem>>[vector<16xi32>, vector<16xi32>], vector<16xf32>,
      %mul3A_313 = arith.mulf %gather3A_311, %gather3A_312 : vector<16xf32>
      %add3A_314 = arith.addf %add3A_308, %mul3A_313 : vector<16xf32>
      %broadcast_in_dim3A_315 = arith.constant 2 : i32
      %broadcast_in_dim3A_316 = vector.broadcast %broadcast_in_dim3A_315 : i32 to vector<16xi32>
      %gather3A_317 = tpu.vector_load_idx %arg15[%add3A_302, %broadcast_in_dim3A_316] : memref<512x32xf32, #tpu.memory_space<vmem>>[vector<16xi32>, vector<16xi32>], vector<16xf32>,
      %gather3A_318 = tpu.vector_load_idx %arg16[%add3A_302, %broadcast_in_dim3A_316] : memref<512x32xf32, #tpu.memory_space<vmem>>[vector<16xi32>, vector<16xi32>], vector<16xf32>,
      %mul3A_319 = arith.mulf %gather3A_317, %gather3A_318 : vector<16xf32>
      %add3A_320 = arith.addf %add3A_314, %mul3A_319 : vector<16xf32>
      %broadcast_in_dim3A_321 = arith.constant 3 : i32
      %broadcast_in_dim3A_322 = vector.broadcast %broadcast_in_dim3A_321 : i32 to vector<16xi32>
      %gather3A_323 = tpu.vector_load_idx %arg15[%add3A_302, %broadcast_in_dim3A_322] : memref<512x32xf32, #tpu.memory_space<vmem>>[vector<16xi32>, vector<16xi32>], vector<16xf32>,
      %gather3A_324 = tpu.vector_load_idx %arg16[%add3A_302, %broadcast_in_dim3A_322] : memref<512x32xf32, #tpu.memory_space<vmem>>[vector<16xi32>, vector<16xi32>], vector<16xf32>,
      %mul3A_325 = arith.mulf %gather3A_323, %gather3A_324 : vector<16xf32>
      %add3A_326 = arith.addf %add3A_320, %mul3A_325 : vector<16xf32>
      %broadcast_in_dim3A_327 = arith.constant 4 : i32
      %broadcast_in_dim3A_328 = vector.broadcast %broadcast_in_dim3A_327 : i32 to vector<16xi32>
      %gather3A_329 = tpu.vector_load_idx %arg15[%add3A_302, %broadcast_in_dim3A_328] : memref<512x32xf32, #tpu.memory_space<vmem>>[vector<16xi32>, vector<16xi32>], vector<16xf32>,
      %gather3A_330 = tpu.vector_load_idx %arg16[%add3A_302, %broadcast_in_dim3A_328] : memref<512x32xf32, #tpu.memory_space<vmem>>[vector<16xi32>, vector<16xi32>], vector<16xf32>,
      %mul3A_331 = arith.mulf %gather3A_329, %gather3A_330 : vector<16xf32>
      %add3A_332 = arith.addf %add3A_326, %mul3A_331 : vector<16xf32>
      %broadcast_in_dim3A_333 = arith.constant 5 : i32
      %broadcast_in_dim3A_334 = vector.broadcast %broadcast_in_dim3A_333 : i32 to vector<16xi32>
      %gather3A_335 = tpu.vector_load_idx %arg15[%add3A_302, %broadcast_in_dim3A_334] : memref<512x32xf32, #tpu.memory_space<vmem>>[vector<16xi32>, vector<16xi32>], vector<16xf32>,
      %gather3A_336 = tpu.vector_load_idx %arg16[%add3A_302, %broadcast_in_dim3A_334] : memref<512x32xf32, #tpu.memory_space<vmem>>[vector<16xi32>, vector<16xi32>], vector<16xf32>,
      %mul3A_337 = arith.mulf %gather3A_335, %gather3A_336 : vector<16xf32>
      %add3A_338 = arith.addf %add3A_332, %mul3A_337 : vector<16xf32>
      %broadcast_in_dim3A_339 = arith.constant 6 : i32
      %broadcast_in_dim3A_340 = vector.broadcast %broadcast_in_dim3A_339 : i32 to vector<16xi32>
      %gather3A_341 = tpu.vector_load_idx %arg15[%add3A_302, %broadcast_in_dim3A_340] : memref<512x32xf32, #tpu.memory_space<vmem>>[vector<16xi32>, vector<16xi32>], vector<16xf32>,
      %gather3A_342 = tpu.vector_load_idx %arg16[%add3A_302, %broadcast_in_dim3A_340] : memref<512x32xf32, #tpu.memory_space<vmem>>[vector<16xi32>, vector<16xi32>], vector<16xf32>,
      %mul3A_343 = arith.mulf %gather3A_341, %gather3A_342 : vector<16xf32>
      %add3A_344 = arith.addf %add3A_338, %mul3A_343 : vector<16xf32>
      %broadcast_in_dim3A_345 = arith.constant 7 : i32
      %broadcast_in_dim3A_346 = vector.broadcast %broadcast_in_dim3A_345 : i32 to vector<16xi32>
      %gather3A_347 = tpu.vector_load_idx %arg15[%add3A_302, %broadcast_in_dim3A_346] : memref<512x32xf32, #tpu.memory_space<vmem>>[vector<16xi32>, vector<16xi32>], vector<16xf32>,
      %gather3A_348 = tpu.vector_load_idx %arg16[%add3A_302, %broadcast_in_dim3A_346] : memref<512x32xf32, #tpu.memory_space<vmem>>[vector<16xi32>, vector<16xi32>], vector<16xf32>,
      %mul3A_349 = arith.mulf %gather3A_347, %gather3A_348 : vector<16xf32>
      %add3A_350 = arith.addf %add3A_344, %mul3A_349 : vector<16xf32>
      %broadcast_in_dim3A_351 = arith.constant 8 : i32
      %broadcast_in_dim3A_352 = vector.broadcast %broadcast_in_dim3A_351 : i32 to vector<16xi32>
      %gather3A_353 = tpu.vector_load_idx %arg15[%add3A_302, %broadcast_in_dim3A_352] : memref<512x32xf32, #tpu.memory_space<vmem>>[vector<16xi32>, vector<16xi32>], vector<16xf32>,
      %gather3A_354 = tpu.vector_load_idx %arg16[%add3A_302, %broadcast_in_dim3A_352] : memref<512x32xf32, #tpu.memory_space<vmem>>[vector<16xi32>, vector<16xi32>], vector<16xf32>,
      %mul3A_355 = arith.mulf %gather3A_353, %gather3A_354 : vector<16xf32>
      %add3A_356 = arith.addf %add3A_350, %mul3A_355 : vector<16xf32>
      %broadcast_in_dim3A_357 = arith.constant 9 : i32
      %broadcast_in_dim3A_358 = vector.broadcast %broadcast_in_dim3A_357 : i32 to vector<16xi32>
      %gather3A_359 = tpu.vector_load_idx %arg15[%add3A_302, %broadcast_in_dim3A_358] : memref<512x32xf32, #tpu.memory_space<vmem>>[vector<16xi32>, vector<16xi32>], vector<16xf32>,
      %gather3A_360 = tpu.vector_load_idx %arg16[%add3A_302, %broadcast_in_dim3A_358] : memref<512x32xf32, #tpu.memory_space<vmem>>[vector<16xi32>, vector<16xi32>], vector<16xf32>,
      %mul3A_361 = arith.mulf %gather3A_359, %gather3A_360 : vector<16xf32>
      %add3A_362 = arith.addf %add3A_356, %mul3A_361 : vector<16xf32>
      %broadcast_in_dim3A_363 = arith.constant 10 : i32
      %broadcast_in_dim3A_364 = vector.broadcast %broadcast_in_dim3A_363 : i32 to vector<16xi32>
      %gather3A_365 = tpu.vector_load_idx %arg15[%add3A_302, %broadcast_in_dim3A_364] : memref<512x32xf32, #tpu.memory_space<vmem>>[vector<16xi32>, vector<16xi32>], vector<16xf32>,
      %gather3A_366 = tpu.vector_load_idx %arg16[%add3A_302, %broadcast_in_dim3A_364] : memref<512x32xf32, #tpu.memory_space<vmem>>[vector<16xi32>, vector<16xi32>], vector<16xf32>,
      %mul3A_367 = arith.mulf %gather3A_365, %gather3A_366 : vector<16xf32>
      %add3A_368 = arith.addf %add3A_362, %mul3A_367 : vector<16xf32>
      %broadcast_in_dim3A_369 = arith.constant 11 : i32
      %broadcast_in_dim3A_370 = vector.broadcast %broadcast_in_dim3A_369 : i32 to vector<16xi32>
      %gather3A_371 = tpu.vector_load_idx %arg15[%add3A_302, %broadcast_in_dim3A_370] : memref<512x32xf32, #tpu.memory_space<vmem>>[vector<16xi32>, vector<16xi32>], vector<16xf32>,
      %gather3A_372 = tpu.vector_load_idx %arg16[%add3A_302, %broadcast_in_dim3A_370] : memref<512x32xf32, #tpu.memory_space<vmem>>[vector<16xi32>, vector<16xi32>], vector<16xf32>,
      %mul3A_373 = arith.mulf %gather3A_371, %gather3A_372 : vector<16xf32>
      %add3A_374 = arith.addf %add3A_368, %mul3A_373 : vector<16xf32>
      %broadcast_in_dim3A_375 = arith.constant 12 : i32
      %broadcast_in_dim3A_376 = vector.broadcast %broadcast_in_dim3A_375 : i32 to vector<16xi32>
      %gather3A_377 = tpu.vector_load_idx %arg15[%add3A_302, %broadcast_in_dim3A_376] : memref<512x32xf32, #tpu.memory_space<vmem>>[vector<16xi32>, vector<16xi32>], vector<16xf32>,
      %gather3A_378 = tpu.vector_load_idx %arg16[%add3A_302, %broadcast_in_dim3A_376] : memref<512x32xf32, #tpu.memory_space<vmem>>[vector<16xi32>, vector<16xi32>], vector<16xf32>,
      %mul3A_379 = arith.mulf %gather3A_377, %gather3A_378 : vector<16xf32>
      %add3A_380 = arith.addf %add3A_374, %mul3A_379 : vector<16xf32>
      %broadcast_in_dim3A_381 = arith.constant 13 : i32
      %broadcast_in_dim3A_382 = vector.broadcast %broadcast_in_dim3A_381 : i32 to vector<16xi32>
      %gather3A_383 = tpu.vector_load_idx %arg15[%add3A_302, %broadcast_in_dim3A_382] : memref<512x32xf32, #tpu.memory_space<vmem>>[vector<16xi32>, vector<16xi32>], vector<16xf32>,
      %gather3A_384 = tpu.vector_load_idx %arg16[%add3A_302, %broadcast_in_dim3A_382] : memref<512x32xf32, #tpu.memory_space<vmem>>[vector<16xi32>, vector<16xi32>], vector<16xf32>,
      %mul3A_385 = arith.mulf %gather3A_383, %gather3A_384 : vector<16xf32>
      %add3A_386 = arith.addf %add3A_380, %mul3A_385 : vector<16xf32>
      %broadcast_in_dim3A_387 = arith.constant 14 : i32
      %broadcast_in_dim3A_388 = vector.broadcast %broadcast_in_dim3A_387 : i32 to vector<16xi32>
      %gather3A_389 = tpu.vector_load_idx %arg15[%add3A_302, %broadcast_in_dim3A_388] : memref<512x32xf32, #tpu.memory_space<vmem>>[vector<16xi32>, vector<16xi32>], vector<16xf32>,
      %gather3A_390 = tpu.vector_load_idx %arg16[%add3A_302, %broadcast_in_dim3A_388] : memref<512x32xf32, #tpu.memory_space<vmem>>[vector<16xi32>, vector<16xi32>], vector<16xf32>,
      %mul3A_391 = arith.mulf %gather3A_389, %gather3A_390 : vector<16xf32>
      %add3A_392 = arith.addf %add3A_386, %mul3A_391 : vector<16xf32>
      %broadcast_in_dim3A_393 = arith.constant 15 : i32
      %broadcast_in_dim3A_394 = vector.broadcast %broadcast_in_dim3A_393 : i32 to vector<16xi32>
      %gather3A_395 = tpu.vector_load_idx %arg15[%add3A_302, %broadcast_in_dim3A_394] : memref<512x32xf32, #tpu.memory_space<vmem>>[vector<16xi32>, vector<16xi32>], vector<16xf32>,
      %gather3A_396 = tpu.vector_load_idx %arg16[%add3A_302, %broadcast_in_dim3A_394] : memref<512x32xf32, #tpu.memory_space<vmem>>[vector<16xi32>, vector<16xi32>], vector<16xf32>,
      %mul3A_397 = arith.mulf %gather3A_395, %gather3A_396 : vector<16xf32>
      %add3A_398 = arith.addf %add3A_392, %mul3A_397 : vector<16xf32>
      %broadcast_in_dim3A_399 = arith.constant 16 : i32
      %broadcast_in_dim3A_400 = vector.broadcast %broadcast_in_dim3A_399 : i32 to vector<16xi32>
      %gather3A_401 = tpu.vector_load_idx %arg15[%add3A_302, %broadcast_in_dim3A_400] : memref<512x32xf32, #tpu.memory_space<vmem>>[vector<16xi32>, vector<16xi32>], vector<16xf32>,
      %gather3A_402 = tpu.vector_load_idx %arg16[%add3A_302, %broadcast_in_dim3A_400] : memref<512x32xf32, #tpu.memory_space<vmem>>[vector<16xi32>, vector<16xi32>], vector<16xf32>,
      %mul3A_403 = arith.mulf %gather3A_401, %gather3A_402 : vector<16xf32>
      %add3A_404 = arith.addf %add3A_398, %mul3A_403 : vector<16xf32>
      %broadcast_in_dim3A_405 = arith.constant 17 : i32
      %broadcast_in_dim3A_406 = vector.broadcast %broadcast_in_dim3A_405 : i32 to vector<16xi32>
      %gather3A_407 = tpu.vector_load_idx %arg15[%add3A_302, %broadcast_in_dim3A_406] : memref<512x32xf32, #tpu.memory_space<vmem>>[vector<16xi32>, vector<16xi32>], vector<16xf32>,
      %gather3A_408 = tpu.vector_load_idx %arg16[%add3A_302, %broadcast_in_dim3A_406] : memref<512x32xf32, #tpu.memory_space<vmem>>[vector<16xi32>, vector<16xi32>], vector<16xf32>,
      %mul3A_409 = arith.mulf %gather3A_407, %gather3A_408 : vector<16xf32>
      %add3A_410 = arith.addf %add3A_404, %mul3A_409 : vector<16xf32>
      %broadcast_in_dim3A_411 = arith.constant 18 : i32
      %broadcast_in_dim3A_412 = vector.broadcast %broadcast_in_dim3A_411 : i32 to vector<16xi32>
      %gather3A_413 = tpu.vector_load_idx %arg15[%add3A_302, %broadcast_in_dim3A_412] : memref<512x32xf32, #tpu.memory_space<vmem>>[vector<16xi32>, vector<16xi32>], vector<16xf32>,
      %gather3A_414 = tpu.vector_load_idx %arg16[%add3A_302, %broadcast_in_dim3A_412] : memref<512x32xf32, #tpu.memory_space<vmem>>[vector<16xi32>, vector<16xi32>], vector<16xf32>,
      %mul3A_415 = arith.mulf %gather3A_413, %gather3A_414 : vector<16xf32>
      %add3A_416 = arith.addf %add3A_410, %mul3A_415 : vector<16xf32>
      %broadcast_in_dim3A_417 = arith.constant 19 : i32
      %broadcast_in_dim3A_418 = vector.broadcast %broadcast_in_dim3A_417 : i32 to vector<16xi32>
      %gather3A_419 = tpu.vector_load_idx %arg15[%add3A_302, %broadcast_in_dim3A_418] : memref<512x32xf32, #tpu.memory_space<vmem>>[vector<16xi32>, vector<16xi32>], vector<16xf32>,
      %gather3A_420 = tpu.vector_load_idx %arg16[%add3A_302, %broadcast_in_dim3A_418] : memref<512x32xf32, #tpu.memory_space<vmem>>[vector<16xi32>, vector<16xi32>], vector<16xf32>,
      %mul3A_421 = arith.mulf %gather3A_419, %gather3A_420 : vector<16xf32>
      %add3A_422 = arith.addf %add3A_416, %mul3A_421 : vector<16xf32>
      %broadcast_in_dim3A_423 = arith.constant 20 : i32
      %broadcast_in_dim3A_424 = vector.broadcast %broadcast_in_dim3A_423 : i32 to vector<16xi32>
      %gather3A_425 = tpu.vector_load_idx %arg15[%add3A_302, %broadcast_in_dim3A_424] : memref<512x32xf32, #tpu.memory_space<vmem>>[vector<16xi32>, vector<16xi32>], vector<16xf32>,
      %gather3A_426 = tpu.vector_load_idx %arg16[%add3A_302, %broadcast_in_dim3A_424] : memref<512x32xf32, #tpu.memory_space<vmem>>[vector<16xi32>, vector<16xi32>], vector<16xf32>,
      %mul3A_427 = arith.mulf %gather3A_425, %gather3A_426 : vector<16xf32>
      %add3A_428 = arith.addf %add3A_422, %mul3A_427 : vector<16xf32>
      %broadcast_in_dim3A_429 = arith.constant 21 : i32
      %broadcast_in_dim3A_430 = vector.broadcast %broadcast_in_dim3A_429 : i32 to vector<16xi32>
      %gather3A_431 = tpu.vector_load_idx %arg15[%add3A_302, %broadcast_in_dim3A_430] : memref<512x32xf32, #tpu.memory_space<vmem>>[vector<16xi32>, vector<16xi32>], vector<16xf32>,
      %gather3A_432 = tpu.vector_load_idx %arg16[%add3A_302, %broadcast_in_dim3A_430] : memref<512x32xf32, #tpu.memory_space<vmem>>[vector<16xi32>, vector<16xi32>], vector<16xf32>,
      %mul3A_433 = arith.mulf %gather3A_431, %gather3A_432 : vector<16xf32>
      %add3A_434 = arith.addf %add3A_428, %mul3A_433 : vector<16xf32>
      %broadcast_in_dim3A_435 = arith.constant 22 : i32
      %broadcast_in_dim3A_436 = vector.broadcast %broadcast_in_dim3A_435 : i32 to vector<16xi32>
      %gather3A_437 = tpu.vector_load_idx %arg15[%add3A_302, %broadcast_in_dim3A_436] : memref<512x32xf32, #tpu.memory_space<vmem>>[vector<16xi32>, vector<16xi32>], vector<16xf32>,
      %gather3A_438 = tpu.vector_load_idx %arg16[%add3A_302, %broadcast_in_dim3A_436] : memref<512x32xf32, #tpu.memory_space<vmem>>[vector<16xi32>, vector<16xi32>], vector<16xf32>,
      %mul3A_439 = arith.mulf %gather3A_437, %gather3A_438 : vector<16xf32>
      %add3A_440 = arith.addf %add3A_434, %mul3A_439 : vector<16xf32>
      %broadcast_in_dim3A_441 = arith.constant 23 : i32
      %broadcast_in_dim3A_442 = vector.broadcast %broadcast_in_dim3A_441 : i32 to vector<16xi32>
      %gather3A_443 = tpu.vector_load_idx %arg15[%add3A_302, %broadcast_in_dim3A_442] : memref<512x32xf32, #tpu.memory_space<vmem>>[vector<16xi32>, vector<16xi32>], vector<16xf32>,
      %gather3A_444 = tpu.vector_load_idx %arg16[%add3A_302, %broadcast_in_dim3A_442] : memref<512x32xf32, #tpu.memory_space<vmem>>[vector<16xi32>, vector<16xi32>], vector<16xf32>,
      %mul3A_445 = arith.mulf %gather3A_443, %gather3A_444 : vector<16xf32>
      %add3A_446 = arith.addf %add3A_440, %mul3A_445 : vector<16xf32>
      %broadcast_in_dim3A_447 = arith.constant 24 : i32
      %broadcast_in_dim3A_448 = vector.broadcast %broadcast_in_dim3A_447 : i32 to vector<16xi32>
      %gather3A_449 = tpu.vector_load_idx %arg15[%add3A_302, %broadcast_in_dim3A_448] : memref<512x32xf32, #tpu.memory_space<vmem>>[vector<16xi32>, vector<16xi32>], vector<16xf32>,
      %gather3A_450 = tpu.vector_load_idx %arg16[%add3A_302, %broadcast_in_dim3A_448] : memref<512x32xf32, #tpu.memory_space<vmem>>[vector<16xi32>, vector<16xi32>], vector<16xf32>,
      %mul3A_451 = arith.mulf %gather3A_449, %gather3A_450 : vector<16xf32>
      %add3A_452 = arith.addf %add3A_446, %mul3A_451 : vector<16xf32>
      %broadcast_in_dim3A_453 = arith.constant 25 : i32
      %broadcast_in_dim3A_454 = vector.broadcast %broadcast_in_dim3A_453 : i32 to vector<16xi32>
      %gather3A_455 = tpu.vector_load_idx %arg15[%add3A_302, %broadcast_in_dim3A_454] : memref<512x32xf32, #tpu.memory_space<vmem>>[vector<16xi32>, vector<16xi32>], vector<16xf32>,
      %gather3A_456 = tpu.vector_load_idx %arg16[%add3A_302, %broadcast_in_dim3A_454] : memref<512x32xf32, #tpu.memory_space<vmem>>[vector<16xi32>, vector<16xi32>], vector<16xf32>,
      %mul3A_457 = arith.mulf %gather3A_455, %gather3A_456 : vector<16xf32>
      %add3A_458 = arith.addf %add3A_452, %mul3A_457 : vector<16xf32>
      %broadcast_in_dim3A_459 = arith.constant 26 : i32
      %broadcast_in_dim3A_460 = vector.broadcast %broadcast_in_dim3A_459 : i32 to vector<16xi32>
      %gather3A_461 = tpu.vector_load_idx %arg15[%add3A_302, %broadcast_in_dim3A_460] : memref<512x32xf32, #tpu.memory_space<vmem>>[vector<16xi32>, vector<16xi32>], vector<16xf32>,
      %gather3A_462 = tpu.vector_load_idx %arg16[%add3A_302, %broadcast_in_dim3A_460] : memref<512x32xf32, #tpu.memory_space<vmem>>[vector<16xi32>, vector<16xi32>], vector<16xf32>,
      %mul3A_463 = arith.mulf %gather3A_461, %gather3A_462 : vector<16xf32>
      %add3A_464 = arith.addf %add3A_458, %mul3A_463 : vector<16xf32>
      %broadcast_in_dim3A_465 = arith.constant 27 : i32
      %broadcast_in_dim3A_466 = vector.broadcast %broadcast_in_dim3A_465 : i32 to vector<16xi32>
      %gather3A_467 = tpu.vector_load_idx %arg15[%add3A_302, %broadcast_in_dim3A_466] : memref<512x32xf32, #tpu.memory_space<vmem>>[vector<16xi32>, vector<16xi32>], vector<16xf32>,
      %gather3A_468 = tpu.vector_load_idx %arg16[%add3A_302, %broadcast_in_dim3A_466] : memref<512x32xf32, #tpu.memory_space<vmem>>[vector<16xi32>, vector<16xi32>], vector<16xf32>,
      %mul3A_469 = arith.mulf %gather3A_467, %gather3A_468 : vector<16xf32>
      %add3A_470 = arith.addf %add3A_464, %mul3A_469 : vector<16xf32>
      %broadcast_in_dim3A_471 = arith.constant 28 : i32
      %broadcast_in_dim3A_472 = vector.broadcast %broadcast_in_dim3A_471 : i32 to vector<16xi32>
      %gather3A_473 = tpu.vector_load_idx %arg15[%add3A_302, %broadcast_in_dim3A_472] : memref<512x32xf32, #tpu.memory_space<vmem>>[vector<16xi32>, vector<16xi32>], vector<16xf32>,
      %gather3A_474 = tpu.vector_load_idx %arg16[%add3A_302, %broadcast_in_dim3A_472] : memref<512x32xf32, #tpu.memory_space<vmem>>[vector<16xi32>, vector<16xi32>], vector<16xf32>,
      %mul3A_475 = arith.mulf %gather3A_473, %gather3A_474 : vector<16xf32>
      %add3A_476 = arith.addf %add3A_470, %mul3A_475 : vector<16xf32>
      %broadcast_in_dim3A_477 = arith.constant 29 : i32
      %broadcast_in_dim3A_478 = vector.broadcast %broadcast_in_dim3A_477 : i32 to vector<16xi32>
      %gather3A_479 = tpu.vector_load_idx %arg15[%add3A_302, %broadcast_in_dim3A_478] : memref<512x32xf32, #tpu.memory_space<vmem>>[vector<16xi32>, vector<16xi32>], vector<16xf32>,
      %gather3A_480 = tpu.vector_load_idx %arg16[%add3A_302, %broadcast_in_dim3A_478] : memref<512x32xf32, #tpu.memory_space<vmem>>[vector<16xi32>, vector<16xi32>], vector<16xf32>,
      %mul3A_481 = arith.mulf %gather3A_479, %gather3A_480 : vector<16xf32>
      %add3A_482 = arith.addf %add3A_476, %mul3A_481 : vector<16xf32>
      %broadcast_in_dim3A_483 = arith.constant 30 : i32
      %broadcast_in_dim3A_484 = vector.broadcast %broadcast_in_dim3A_483 : i32 to vector<16xi32>
      %gather3A_485 = tpu.vector_load_idx %arg15[%add3A_302, %broadcast_in_dim3A_484] : memref<512x32xf32, #tpu.memory_space<vmem>>[vector<16xi32>, vector<16xi32>], vector<16xf32>,
      %gather3A_486 = tpu.vector_load_idx %arg16[%add3A_302, %broadcast_in_dim3A_484] : memref<512x32xf32, #tpu.memory_space<vmem>>[vector<16xi32>, vector<16xi32>], vector<16xf32>,
      %mul3A_487 = arith.mulf %gather3A_485, %gather3A_486 : vector<16xf32>
      %add3A_488 = arith.addf %add3A_482, %mul3A_487 : vector<16xf32>
      %broadcast_in_dim3A_489 = arith.constant 31 : i32
      %broadcast_in_dim3A_490 = vector.broadcast %broadcast_in_dim3A_489 : i32 to vector<16xi32>
      %gather3A_491 = tpu.vector_load_idx %arg15[%add3A_302, %broadcast_in_dim3A_490] : memref<512x32xf32, #tpu.memory_space<vmem>>[vector<16xi32>, vector<16xi32>], vector<16xf32>,
      %gather3A_492 = tpu.vector_load_idx %arg16[%add3A_302, %broadcast_in_dim3A_490] : memref<512x32xf32, #tpu.memory_space<vmem>>[vector<16xi32>, vector<16xi32>], vector<16xf32>,
      %mul3A_493 = arith.mulf %gather3A_491, %gather3A_492 : vector<16xf32>
      %add3A_494 = arith.addf %add3A_488, %mul3A_493 : vector<16xf32>
      %get3A = arith.index_cast %mul3A_300 : i32 to index
      %get3A_495 = tpu.vector_load %arg17[%get3A] {strides = array<i32>} : memref<512xf32, #tpu.memory_space<vmem>>, vector<16xf32>,
      %add3A_496 = arith.addf %add3A_494, %get3A_495 : vector<16xf32>
      %get3A_497 = arith.index_cast %mul3A_300 : i32 to index
      %get3A_498 = tpu.vector_load %arg18[%get3A_497] {strides = array<i32>} : memref<512xf32, #tpu.memory_space<vmem>>, vector<16xf32>,
      %add3A_499 = arith.addf %add3A_496, %get3A_498 : vector<16xf32>
      %neg3A = arith.constant 0.000000e+00 : f32
      %neg3A_500 = vector.broadcast %neg3A : f32 to vector<16xf32>
      %neg3A_501 = arith.subf %neg3A_500, %add3A_499 : vector<16xf32>
      %exp3A = math.exp %neg3A_501 : vector<16xf32>
      %add3A_502 = arith.constant 1.000000e+00 : f32
      %add3A_503 = vector.broadcast %add3A_502 : f32 to vector<16xf32>
      %add3A_504 = arith.addf %add3A_503, %exp3A : vector<16xf32>
      %div3A = arith.constant 1.000000e+00 : f32
      %div3A_505 = vector.broadcast %div3A : f32 to vector<16xf32>
      %div3A_506 = arith.divf %div3A_505, %add3A_504 : vector<16xf32>
      %swap3A = arith.index_cast %mul3A_300 : i32 to index
      %swap3A_507 = tpu.vector_load %arg19[%swap3A] {strides = array<i32>} : memref<512xf32, #tpu.memory_space<vmem>>, vector<16xf32>,
      tpu.vector_store %arg19[%swap3A], %div3A_506 {strides = array<i32>} : memref<512xf32, #tpu.memory_space<vmem>>, vector<16xf32>,
    }
    %scan3A_297 = arith.constant 32 : i32
    "tpu.region"() ({
      %run_scoped3A = tpu.sem_alloc : memref<!tpu.dma_semaphore, #tpu.memory_space<semaphore_mem>>
      %dma_start3A_298 = tpu.memref_slice %arg8[%mul3A_2] : memref<16384xf32, #tpu.memory_space<hbm>> -> memref<512xf32, #tpu.memory_space<hbm>>
      %dma_start3A_299 = tpu.memref_slice %arg8[%mul3A_2] : memref<16384xf32, #tpu.memory_space<hbm>> -> memref<512xf32, #tpu.memory_space<hbm>>
      tpu.enqueue_dma source(%arg19 : memref<512xf32, #tpu.memory_space<vmem>>) target(%dma_start3A_299 : memref<512xf32, #tpu.memory_space<hbm>>) target_semaphore(%run_scoped3A : memref<!tpu.dma_semaphore, #tpu.memory_space<semaphore_mem>>)
      %dma_wait3A_300 = tpu.memref_slice %arg8[%mul3A_2] : memref<16384xf32, #tpu.memory_space<hbm>> -> memref<512xf32, #tpu.memory_space<hbm>>
      %dma_wait3A_301 = tpu.memref_slice %arg8[%mul3A_2] : memref<16384xf32, #tpu.memory_space<hbm>> -> memref<512xf32, #tpu.memory_space<hbm>>
      tpu.wait_dma2 semaphore(%run_scoped3A : memref<!tpu.dma_semaphore, #tpu.memory_space<semaphore_mem>>) src(%arg19 : memref<512xf32, #tpu.memory_space<vmem>>) dst(%dma_wait3A_301 : memref<512xf32, #tpu.memory_space<hbm>>)
      tpu.yield
    }) : () -> ()
    "tpu.region"() ({
      %run_scoped3A = tpu.sem_alloc : memref<!tpu.dma_semaphore, #tpu.memory_space<semaphore_mem>>
      %dma_start3A_298 = arith.constant 0 : i32
      %dma_start3A_299 = tpu.memref_slice %arg9[%mul3A_2, %dma_start3A_298] : memref<16384x32xf32, #tpu.memory_space<hbm>> -> memref<512x32xf32, #tpu.memory_space<hbm>>
      %dma_start3A_300 = arith.constant 0 : i32
      %dma_start3A_301 = tpu.memref_slice %arg9[%mul3A_2, %dma_start3A_300] : memref<16384x32xf32, #tpu.memory_space<hbm>> -> memref<512x32xf32, #tpu.memory_space<hbm>>
      tpu.enqueue_dma source(%arg15 : memref<512x32xf32, #tpu.memory_space<vmem>>) target(%dma_start3A_301 : memref<512x32xf32, #tpu.memory_space<hbm>>) target_semaphore(%run_scoped3A : memref<!tpu.dma_semaphore, #tpu.memory_space<semaphore_mem>>)
      %dma_wait3A_302 = arith.constant 0 : i32
      %dma_wait3A_303 = tpu.memref_slice %arg9[%mul3A_2, %dma_wait3A_302] : memref<16384x32xf32, #tpu.memory_space<hbm>> -> memref<512x32xf32, #tpu.memory_space<hbm>>
      %dma_wait3A_304 = arith.constant 0 : i32
      %dma_wait3A_305 = tpu.memref_slice %arg9[%mul3A_2, %dma_wait3A_304] : memref<16384x32xf32, #tpu.memory_space<hbm>> -> memref<512x32xf32, #tpu.memory_space<hbm>>
      tpu.wait_dma2 semaphore(%run_scoped3A : memref<!tpu.dma_semaphore, #tpu.memory_space<semaphore_mem>>) src(%arg15 : memref<512x32xf32, #tpu.memory_space<vmem>>) dst(%dma_wait3A_305 : memref<512x32xf32, #tpu.memory_space<hbm>>)
      tpu.yield
    }) : () -> ()
    "tpu.region"() ({
      %run_scoped3A = tpu.sem_alloc : memref<!tpu.dma_semaphore, #tpu.memory_space<semaphore_mem>>
      %dma_start3A_298 = arith.constant 0 : i32
      %dma_start3A_299 = tpu.memref_slice %arg10[%mul3A_2, %dma_start3A_298] : memref<16384x32xf32, #tpu.memory_space<hbm>> -> memref<512x32xf32, #tpu.memory_space<hbm>>
      %dma_start3A_300 = arith.constant 0 : i32
      %dma_start3A_301 = tpu.memref_slice %arg10[%mul3A_2, %dma_start3A_300] : memref<16384x32xf32, #tpu.memory_space<hbm>> -> memref<512x32xf32, #tpu.memory_space<hbm>>
      tpu.enqueue_dma source(%arg16 : memref<512x32xf32, #tpu.memory_space<vmem>>) target(%dma_start3A_301 : memref<512x32xf32, #tpu.memory_space<hbm>>) target_semaphore(%run_scoped3A : memref<!tpu.dma_semaphore, #tpu.memory_space<semaphore_mem>>)
      %dma_wait3A_302 = arith.constant 0 : i32
      %dma_wait3A_303 = tpu.memref_slice %arg10[%mul3A_2, %dma_wait3A_302] : memref<16384x32xf32, #tpu.memory_space<hbm>> -> memref<512x32xf32, #tpu.memory_space<hbm>>
      %dma_wait3A_304 = arith.constant 0 : i32
      %dma_wait3A_305 = tpu.memref_slice %arg10[%mul3A_2, %dma_wait3A_304] : memref<16384x32xf32, #tpu.memory_space<hbm>> -> memref<512x32xf32, #tpu.memory_space<hbm>>
      tpu.wait_dma2 semaphore(%run_scoped3A : memref<!tpu.dma_semaphore, #tpu.memory_space<semaphore_mem>>) src(%arg16 : memref<512x32xf32, #tpu.memory_space<vmem>>) dst(%dma_wait3A_305 : memref<512x32xf32, #tpu.memory_space<hbm>>)
      tpu.yield
    }) : () -> ()
    "tpu.region"() ({
      %run_scoped3A = tpu.sem_alloc : memref<!tpu.dma_semaphore, #tpu.memory_space<semaphore_mem>>
      %dma_start3A_298 = tpu.memref_slice %arg11[%mul3A_2] : memref<16384xf32, #tpu.memory_space<hbm>> -> memref<512xf32, #tpu.memory_space<hbm>>
      %dma_start3A_299 = tpu.memref_slice %arg11[%mul3A_2] : memref<16384xf32, #tpu.memory_space<hbm>> -> memref<512xf32, #tpu.memory_space<hbm>>
      tpu.enqueue_dma source(%arg17 : memref<512xf32, #tpu.memory_space<vmem>>) target(%dma_start3A_299 : memref<512xf32, #tpu.memory_space<hbm>>) target_semaphore(%run_scoped3A : memref<!tpu.dma_semaphore, #tpu.memory_space<semaphore_mem>>)
      %dma_wait3A_300 = tpu.memref_slice %arg11[%mul3A_2] : memref<16384xf32, #tpu.memory_space<hbm>> -> memref<512xf32, #tpu.memory_space<hbm>>
      %dma_wait3A_301 = tpu.memref_slice %arg11[%mul3A_2] : memref<16384xf32, #tpu.memory_space<hbm>> -> memref<512xf32, #tpu.memory_space<hbm>>
      tpu.wait_dma2 semaphore(%run_scoped3A : memref<!tpu.dma_semaphore, #tpu.memory_space<semaphore_mem>>) src(%arg17 : memref<512xf32, #tpu.memory_space<vmem>>) dst(%dma_wait3A_301 : memref<512xf32, #tpu.memory_space<hbm>>)
      tpu.yield
    }) : () -> ()
    "tpu.region"() ({
      %run_scoped3A = tpu.sem_alloc : memref<!tpu.dma_semaphore, #tpu.memory_space<semaphore_mem>>
      %dma_start3A_298 = tpu.memref_slice %arg12[%mul3A_2] : memref<16384xf32, #tpu.memory_space<hbm>> -> memref<512xf32, #tpu.memory_space<hbm>>
      %dma_start3A_299 = tpu.memref_slice %arg12[%mul3A_2] : memref<16384xf32, #tpu.memory_space<hbm>> -> memref<512xf32, #tpu.memory_space<hbm>>
      tpu.enqueue_dma source(%arg18 : memref<512xf32, #tpu.memory_space<vmem>>) target(%dma_start3A_299 : memref<512xf32, #tpu.memory_space<hbm>>) target_semaphore(%run_scoped3A : memref<!tpu.dma_semaphore, #tpu.memory_space<semaphore_mem>>)
      %dma_wait3A_300 = tpu.memref_slice %arg12[%mul3A_2] : memref<16384xf32, #tpu.memory_space<hbm>> -> memref<512xf32, #tpu.memory_space<hbm>>
      %dma_wait3A_301 = tpu.memref_slice %arg12[%mul3A_2] : memref<16384xf32, #tpu.memory_space<hbm>> -> memref<512xf32, #tpu.memory_space<hbm>>
      tpu.wait_dma2 semaphore(%run_scoped3A : memref<!tpu.dma_semaphore, #tpu.memory_space<semaphore_mem>>) src(%arg18 : memref<512xf32, #tpu.memory_space<vmem>>) dst(%dma_wait3A_301 : memref<512xf32, #tpu.memory_space<hbm>>)
      tpu.yield
    }) : () -> ()
    return
  }
}

</mosaic_0001>

<sc_bundles>
// kernel: kernel.3.cloned.1.call-start
scs
__scs_entry_jumppad:
0x0: {  	(pc) =	sbr.rel $0x88, $3  }
0x1: {  	(tag) =	ssettag $0x0;
	lr =	simm.s32 $0x1  }
0x2: {  	[smem:$0x3F9B] =	sst lr;
	_ =	strace $0xD0000000  }
0x3: {  	_ = 	snop  }
0x4: {  	_ = 	snop  }
0x5: {  	_ = 	snop  }
0x6: {  	_ = 	snop  }
0x7: {  	_ = 	snop  }
__scs_overlays_trampoline_lowered:
0x8: {  	[smem:$0x3FAA] =	sst s0  }
0x9: {  	[smem:$0x3FAB] =	sst s1  }
0xa: {  	[smem:$0x3FAC] =	sst s2  }
0xb: {  	[smem:$0x3FAD] =	sst s3  }
0xc: {  	[smem:$0x3FAE] =	sst s4  }
0xd: {  	[smem:$0x3FAF] =	sst s5  }
0xe: {  	[smem:$0x3FB0] =	sst s6  }
0xf: {  	[smem:$0x3FB1] =	sst s7  }
0x10: {  	[smem:$0x3FB2] =	sst s8  }
0x11: {  	[smem:$0x3FB3] =	sst s9;
	s0 =	simm.s32 @!p0 $0x0  }
0x12: {  	s1 =	sld [smem:$0x3F99];
	s0 =	simm.s32 @p0 $0x1  }
0x13: {  	[smem:$0x3FB4] =	sst s0;
	s0 =	simm.s32 @!p1 $0x0  }
0x14: {  	s2 =	sld [smem:$0x3F98];
	s0 =	simm.s32 @p1 $0x1  }
0x15: {  	[smem:$0x3FB5] =	sst s0;
	s0 =	simm.s32 @!p2 $0x0  }
0x16: {  	s3 =	sld [smem:$0x3FDB];
	s0 =	simm.s32 @p2 $0x1  }
0x17: {  	s4 =	simm.s32 $0x1BF5;
	[smem:$0x3FB7] =	sst s0  }
0x18: {  	s0 =	sld [smem:$0x3F9A];
	_ =	swait.ge [sflag:s4], $0x0  }
0x19: {  	s7 =	sld [smem:$0x3F9B]  }
0x1a: {  	s8 =	sadd.s32 $0xFFFFE003, lr  }
0x1b: {  	s9 =	sadd.s32 $0xFFFFFEF7, lr;
	s5 =	simm.s32 $0xFFFFFFFF;
	p2 =	slt.u32 s8, $0xFFFFF086  }
0x1c: {  	p1 =	slt.u32 s9, $0xF7A;
	s5 =	simm.s32 @!p2 $0x0  }
0x1d: {  	s5 =	simm.s32 @p1 $0x1;
	p0 =	seq.s32 s7, s2  }
0x1e: {  	s7 =	smul.u32 @!p0 $0xF7A, s2;
	p2 =	seq.s32 @!p0 s5, $0x0  }
0x1f: {  	s9 =	smul.u32 $0xF7A, s1;
	s8 =	simm.s32 @!p0 $0x1BF5;
	p2 =	por !p2, p0  }
0x20: {  	[sflag:s8] =	ssyncset.s32 @!p0 $0xFFFFF086;
	s6 =	sadd.s32 @!p0 s3, s7;
	s7 =	simm.s32 @!p0 $0x108  }
0x21: {  	s3 =	sadd.s32 s3, s9;
	s6 =	sadd.s32 @!p0 $0x88, s6;
	s7 =	simm.s32 @p2 $0x1082  }
0x22: {  	[simem:s7], [sflag:s8] =	dma.local @!p0 [hbm:s6], $0xF7A  }
0x23: {  	s9 =	sor.u32 $0xD0000000, s2;
	s6 =	simm.s32 $0x108;
	_ =	swait.ge @!p0 [sflag:s8], $0x0  }
0x24: {  	s3 =	sadd.s32 $0x88, s3;
	s6 =	simm.s32 @!p1 $0x1082;
	[sflag:s4] =	ssyncset.s32 $0xFFFFF086  }
0x25: {  	[simem:s6], [sflag:s4] =	dma.local [hbm:s3], $0xF7A  }
0x26: {  	[smem:$0x3F9B] =	sst s1;
	(tag) =	ssettag s2;
	_ =	strace s9  }
0x27: {  	s1 =	sld [smem:$0x3FAB]  }
0x28: {  	s2 =	sld [smem:$0x3FAC]  }
0x29: {  	s4 =	sld [smem:$0x3FAE]  }
0x2a: {  	p0 =	seq.s32 s5, $0x0;
	s5 =	sld [smem:$0x3FAF]  }
0x2b: {  	s6 =	sld [smem:$0x3FB0]  }
0x2c: {  	s7 =	sld [smem:$0x3FB1]  }
0x2d: {  	s3 =	simm.s32 $0x108;
	s8 =	sld [smem:$0x3FB2]  }
0x2e: {  	s3 =	simm.s32 @!p0 $0x1082;
	s9 =	sld [smem:$0x3FB3]  }
0x2f: {  	lr =	sadd.s32 s0, s3;
	s0 =	sld [smem:$0x3FAA]  }
0x30: {  	s3 =	sld [smem:$0x3FAD]  }
0x31: {  	[smem:$0x3FB6] =	sst s10  }
0x32: {  	s10 =	sld [smem:$0x3FB4];
	_ =	sdelay $0x3  }
0x33: {  	p0 =	seq.s32 s10, $0x1;
	s10 =	sld [smem:$0x3FB6];
	_ =	sdelay $0x3  }
0x34: {  	[smem:$0x3FB6] =	sst s10  }
0x35: {  	s10 =	sld [smem:$0x3FB5];
	_ =	sdelay $0x3  }
0x36: {  	p1 =	seq.s32 s10, $0x1;
	s10 =	sld [smem:$0x3FB6];
	_ =	sdelay $0x3  }
0x37: {  	[smem:$0x3FB6] =	sst s10  }
0x38: {  	s10 =	sld [smem:$0x3FB7]  }
0x39: {  	_ = 	snop;
	(pc) =	sbr.ind lr, $3  }
0x3a: {  	_ = 	snop  }
0x3b: {  	_ = 	snop  }
0x3c: {  	p2 =	seq.s32 s10, $0x1;
	s10 =	sld [smem:$0x3FB6]  }
0x3d: {  	_ =	shalt  }
0x3e: {  	_ =	shalt  }
0x3f: {  	_ =	shalt  }
0x40: {  	_ =	shalt  }
0x41: {  	_ =	shalt  }
0x42: {  	_ =	shalt  }
0x43: {  	_ =	shalt  }
0x44: {  	_ =	shalt  }
0x45: {  	_ =	shalt  }
0x46: {  	_ =	shalt  }
0x47: {  	_ =	shalt  }
0x48: {  	_ =	shalt  }
0x49: {  	_ =	shalt  }
0x4a: {  	_ =	shalt  }
0x4b: {  	_ =	shalt  }
0x4c: {  	_ =	shalt  }
0x4d: {  	_ =	shalt  }
0x4e: {  	_ =	shalt  }
0x4f: {  	_ =	shalt  }
0x50: {  	_ =	shalt  }
0x51: {  	_ =	shalt  }
0x52: {  	_ =	shalt  }
0x53: {  	_ =	shalt  }
0x54: {  	_ =	shalt  }
0x55: {  	_ =	shalt  }
0x56: {  	_ =	shalt  }
0x57: {  	_ =	shalt  }
0x58: {  	_ =	shalt  }
0x59: {  	_ =	shalt  }
0x5a: {  	_ =	shalt  }
0x5b: {  	_ =	shalt  }
0x5c: {  	_ =	shalt  }
0x5d: {  	_ =	shalt  }
0x5e: {  	_ =	shalt  }
0x5f: {  	_ =	shalt  }
0x60: {  	_ =	shalt  }
0x61: {  	_ =	shalt  }
0x62: {  	_ =	shalt  }
0x63: {  	_ =	shalt  }
0x64: {  	_ =	shalt  }
0x65: {  	_ =	shalt  }
0x66: {  	_ =	shalt  }
0x67: {  	_ =	shalt  }
0x68: {  	_ =	shalt  }
0x69: {  	_ =	shalt  }
0x6a: {  	_ =	shalt  }
0x6b: {  	_ =	shalt  }
0x6c: {  	_ =	shalt  }
0x6d: {  	_ =	shalt  }
0x6e: {  	_ =	shalt  }
0x6f: {  	_ =	shalt  }
0x70: {  	_ =	shalt  }
0x71: {  	_ =	shalt  }
0x72: {  	_ =	shalt  }
0x73: {  	_ =	shalt  }
0x74: {  	_ =	shalt  }
0x75: {  	_ =	shalt  }
0x76: {  	_ =	shalt  }
0x77: {  	_ =	shalt  }
0x78: {  	_ =	shalt  }
0x79: {  	_ =	shalt  }
0x7a: {  	_ =	shalt  }
0x7b: {  	_ =	shalt  }
0x7c: {  	_ =	shalt  }
0x7d: {  	_ =	shalt  }
0x7e: {  	_ =	shalt  }
0x7f: {  	_ =	shalt  }
0x80: {  	_ =	shalt  }
0x81: {  	_ =	shalt  }
0x82: {  	_ =	shalt  }
0x83: {  	_ =	shalt  }
0x84: {  	_ =	shalt  }
0x85: {  	_ =	shalt  }
0x86: {  	_ =	shalt  }
0x87: {  	_ =	shalt  }
.Lfunc_end0:
.L_simem_size_0:
called_computation_lowered:
.L_overlay_start_0:
0x88: {  	s2 =	sld [smem:$0x3FD9]  }
0x89: {  	s3 =	sld [smem:$0x3FFE];
	_ =	sdelay $0x1  }
0x8a: {  	s1 =	srdreg.scid  }
0x8b: {  	s0 =	sand.u32 $0x1, s1  }
0x8c: {  	s14 =	sshll.u32 s0, $0xA;
	s2 =	sadd.s32 s3, s2  }
0x8d: {  	s2 =	sadd.s32 s2, s14  }
0x8e: {  	[smem:$0x3FC2] =	sst s2  }
0x8f: {  	_ = 	snop  }
0x90: {  	s2 =	sld [smem:$0x3FD0];
	_ =	sdelay $0x1  }
0x91: {  	s15 =	sld [smem:$0x3FC9]  }
0x92: {  	s5 =	simm.s32 $0xA;
	s6 =	simm.s32 $0x10;
	s4 =	sld [smem:$0x3FC8]  }
0x93: {  	[smem:s6], [sflag:s5] =	dma.local [hbm:s2], $0x1  }
0x94: {  	_ =	swait.eq [sflag:s5], $0x1  }
0x95: {  	s16 =	sld [smem:$0x10]  }
0x96: {  	s17 =	sld [smem:$0x11]  }
0x97: {  	s7 =	sld [smem:$0x12];
	[sflag:s5] =	ssyncset.done $0x0  }
0x98: {  	s8 =	sld [smem:$0x13];
	[sflag:s5] =	ssyncadd.s32 $0xFFFFFFFF  }
0x99: {  	s18 =	sld [smem:$0x14];
	(tm) =	ssettm $0x1  }
0x9a: {  	s9 =	sld [smem:$0x3FFB];
	_ =	sdelay $0x3  }
0x9b: {  	_ =	strace s9  }
0x9c: {  	s9 =	sld [smem:$0x3FFC];
	_ =	sdelay $0x3  }
0x9d: {  	_ =	strace s9  }
0x9e: {  	s9 =	sld [smem:$0x3FFD];
	_ =	sdelay $0x3  }
0x9f: {  	_ =	strace s9  }
0xa0: {  	_ =	strace $0x8FFFFFFF  }
0xa1: {  	s19 =	sld [smem:$0x3FDB];
	_ =	sdelay $0x1  }
0xa2: {  	s10 =	simm.s32 $_scs_section_size  }
0xa3: {  	s11 =	simm.s32 $_size__tile_overlayer_lowered;
	s12 =	simm.s32 $_tile_overlayer_lowered  }
0xa4: {  	s22 =	simm.s32 $0x1BFF;
	s21 =	sshll.u32 s12, $0x1;
	s9 =	sadd.s32 s10, s19  }
0xa5: {  	s13 =	simm.s32 $0x0;
	s20 =	sshll.u32 s11, $0x1;
	s11 =	sadd.s32 s21, s9  }
0xa6: {  	[timem:s13], [sflag:s22] =	dma.local [hbm:s11], s20  }
0xa7: {  	_ =	swait.ge [sflag:s22], s20  }
0xa8: {  	s10 =	ssub.s32 $0x0, s20;
	[sflag:s22] =	ssyncset.done $0x0  }
0xa9: {  	[sflag:s22] =	ssyncadd.s32 s10;
	_ =	sdelay $0x1  }
0xaa: {  	s23 =	simm.s32 $0x1B8B  }
0xab: {  	_ =	swait.ge [sflag:s23], $0x1  }
0xac: {  	[sflag:s23] =	ssyncset.done $0x0  }
0xad: {  	s25 =	simm.s32 $0x1B8E;
	s24 =	sld [smem:$0x3FFE];
	[sflag:s23] =	ssyncadd.s32 $0xFFFFFFFF  }
0xae: {  	s26 =	simm.s32 $execute0_lowered;
	[smem:$0x3FD2] =	sst s25  }
0xaf: {  	s11 =	sshll.u32 s26, $0x1;
	_ =	strace $0x80000046;
	[dreg:$0x1] =	wrdreg $0xFFFFFFFF  }
0xb0: {  	s28 =	simm.s32 $_size_execute0_lowered;
	s9 =	sadd.s32 s9, s11;
	[dreg:$0x0] =	wrdreg $0x0  }
0xb1: {  	s11 =	sshll.u32 s28, $0x1;
	[dreg:$0x2] =	wrdreg s9  }
0xb2: {  	[dreg:$0x3] =	wrdreg s11  }
0xb3: {  	[dreg:$0x4] =	wrdreg $0xC0  }
0xb4: {  	_ =	task [dreg:s13], $0x5FFFF  }
0xb5: {  	[dreg:$0x1] =	wrdreg $0xFFFFFFFF  }
0xb6: {  	[dreg:$0x0] =	wrdreg $0x60  }
0xb7: {  	[dreg:$0x2] =	wrdreg s15  }
0xb8: {  	[dreg:$0x3] =	wrdreg s4  }
0xb9: {  	[dreg:$0x4] =	wrdreg s24  }
0xba: {  	[dreg:$0x5] =	wrdreg s17  }
0xbb: {  	[dreg:$0x6] =	wrdreg s16  }
0xbc: {  	[dreg:$0x7] =	wrdreg s7  }
0xbd: {  	[dreg:$0x8] =	wrdreg s8  }
0xbe: {  	[dreg:$0x9] =	wrdreg s18  }
0xbf: {  	[dreg:$0xa] =	wrdreg $0x9  }
0xc0: {  	_ =	task.clear_ibuf [dreg:s13], $0xBFFFF;
	_ =	strace $0x90000046  }
0xc1: {  	s29 =	simm.s32 $0x9;
	_ =	strace $0x80000048  }
0xc2: {  	_ =	swait.ge [sflag:s29], $0x1  }
0xc3: {  	[sflag:s29] =	ssyncadd.s32 $0xFFFFFFFF  }
0xc4: {  	_ =	strace $0x90000048  }
0xc5: {  	_ =	sfence  }
0xc6: {  	s30 =	sld [smem:$0x0];
	_ =	sdelay $0x2  }
0xc7: {  	s31 =	sshll.u32 s1, $0xD;
	s1 =	sshrl.u32 s1, $0x2  }
0xc8: {  	s3 =	sand.u32 $0x4000, s31;
	s1 =	sadd.s32 s1, s30  }
0xc9: {  	s0 =	sor.u32 s3, s0;
	s1 =	sshll.u32 s1, $0x11  }
0xca: {  	s0 =	sor.u32 s1, s0  }
0xcb: {  	s0 =	sadd.s32 $0x8F2B, s0  }
0xcc: {  	[sflag:s0] =	ssyncadd.remote.s32 $0x1  }
0xcd: {  	_ =	sfence.sel $0xFFFF  }
0xce: {  	[dreg:$0x0] =	wrdreg $0xFFFFFFFF;
	(pc) =	sbr.abs _section_cstart, $3  }
0xcf: {  	[dreg:$0x1] =	wrdreg $0xFFFFFFFF  }
0xd0: {  	_ =	task.clear_ibuf [dreg:s13], $0x2FFFF;
	_ =	strace $0x9FFFFFFF  }
0xd1: {  	(tm) =	ssettm $0x7FFFFFFF  }
tec
execute0_lowered:
.L_overlay_start_1:
0x0: {  	(tag) =	ssettag $0x1  }
0x1: {  	s0 =	rddreg [dreg:$0x0]  }
0x2: {  	s2 =	rddreg [dreg:$0x1]  }
0x3: {  	s7 =	rddreg [dreg:$0x2]  }
0x4: {  	s1 =	rddreg [dreg:$0x3]  }
0x5: {  	s9 =	rddreg [dreg:$0x4]  }
0x6: {  	s10 =	rddreg [dreg:$0x5]  }
0x7: {  	s12 =	rddreg [dreg:$0x6]  }
0x8: {  	s13 =	rddreg [dreg:$0x7]  }
0x9: {  	s3 =	simm.s32 $0x0;
	s4 =	srdreg.scid;
	s5 =	stileid.u32  }
0xa: {  	s18 =	simm.s32 $0x400;
	s19 =	simm.s32 $0x4400;
	s25 =	simm.s32 $0x100  }
0xb: {  	s28 =	simm.s32 $0x300;
	s20 =	simm.s32 $0x380;
	s29 =	simm.s32 $0x8800  }
0xc: {  	s30 =	simm.s32 $0x8400;
	s31 =	simm.s32 $0x8600;
	[smem:$0x7FF] =	sst s3  }
0xd: {  	s8 =	sand.u32 $0x1, s4;
	s6 =	sshll.u32 s5, $0x1;
	s4 =	sadd.s32 $0xF42800, s7  }
0xe: {  	s5 =	sadd.s32 $0x186E00, s7;
	_ =	strace $0x80000047;
	s11 =	sor.u32 s8, s6  }
0xf: {  	s6 =	sadd.s32 $0x400, s7;
	s8 =	ssub.s32 $0x2, s8;
	s14 =	sshll.u32 s11, $0xB  }
0x10: {  	s26 =	sshrl.u32 s8, $0x1;
	s16 =	sshll.u32 s11, $0x6;
	s15 =	sadd.s32 s14, s7  }
0x11: {  	s17 =	ssub.s32 s8, s26;
	s7 =	sadd.s32 s2, s16;
	s8 =	sadd.s32 s0, s16  }
0x12: {  	s9 =	sadd.s32 s9, s16;
	s10 =	sadd.s32 s10, s14;
	s12 =	sadd.s32 s12, s16  }
0x13: {  	v0 =	vlaneseq.u32;
	s13 =	sadd.s32 s13, s16;
	s16 =	simm.s32 $0x200;
	s0 =	simm.s32 $0x180  }
0x14: {  	v0 =	vmul.u32 $0x20, v0;
	s26 =	simm.s32 $0x1;
	s2 =	simm.s32 $0x0;
	s11 =	sadd.s32 $0x1EE00, s15  }
0x15: {  	s14 =	smax.u32 s17, $0x1;
	s15 =	simm.s32 $0x2;
	s17 =	simm.s32 $0x80  }
.LBB2_1:
0x16: {  	[tilespmem:s3], [sflag:$0x2] =	stream.linear.gather [hbm4b:s7+s3], $0x200, $0x38;
	[tilespmem:$0x8A00] =	vst v63  }
0x17: {  	_ =	swait.ge [sflag:s15], $0x200  }
0x18: {  	[sflag:s15] =	ssyncset.done $0x0  }
0x19: {  	[sflag:s15] =	ssyncadd.s32 $0xFFFFFE00  }
0x1a: {  	[tilespmem:s16], [sflag:$0x2] =	stream.linear.gather [hbm4b:s8+s3], $0x200, $0x38;
	[tilespmem:$0x8A00] =	vst v63  }
0x1b: {  	_ =	swait.ge [sflag:s15], $0x200  }
0x1c: {  	[sflag:s15] =	ssyncset.done $0x0  }
0x1d: {  	[sflag:s15] =	ssyncadd.s32 $0xFFFFFE00  }
0x1e: {  	[tilespmem:s18], [sflag:$0x1] =	stream.indirect.gather [hbm4b:s4+s17], $0x20, s3, s17, $0xb8;
	[tilespmem:$0x8A00] =	vst v63  }
0x1f: {  	_ = 	snop  }
0x20: {  	[tilespmem:s19], [sflag:$0x1] =	stream.indirect.gather [hbm4b:s5+s17], $0x20, s16, s17, $0xb8;
	[tilespmem:$0x8A00] =	vst v63  }
0x21: {  	_ = 	snop  }
0x22: {  	[tilespmem:s30], [sflag:$0x1] =	stream.indirect.gather [hbm4b:s6+s17], $0x1, s3, s17, $0xb8;
	[tilespmem:$0x8A00] =	vst v63  }
0x23: {  	_ = 	snop  }
0x24: {  	[tilespmem:s31], [sflag:$0x1] =	stream.indirect.gather [hbm4b:s1+s17], $0x1, s16, s17, $0xb8;
	[tilespmem:$0x8A00] =	vst v63  }
0x25: {  	s21 =	simm.s32 $0x1400  }
0x26: {  	[tilespmem:s21], [sflag:$0x1] =	stream.indirect.gather [hbm4b:s4+s17], $0x20, s17, s17, $0xb8;
	[tilespmem:$0x8A00] =	vst v63  }
0x27: {  	s22 =	simm.s32 $0x5400;
	s21 =	simm.s32 $0x280  }
0x28: {  	[tilespmem:s22], [sflag:$0x1] =	stream.indirect.gather [hbm4b:s5+s17], $0x20, s21, s17, $0xb8;
	[tilespmem:$0x8A00] =	vst v63  }
0x29: {  	s24 =	simm.s32 $0x8480  }
0x2a: {  	[tilespmem:s24], [sflag:$0x1] =	stream.indirect.gather [hbm4b:s6+s17], $0x1, s17, s17, $0xb8;
	[tilespmem:$0x8A00] =	vst v63  }
0x2b: {  	s23 =	simm.s32 $0x8680  }
0x2c: {  	[tilespmem:s23], [sflag:$0x1] =	stream.indirect.gather [hbm4b:s1+s17], $0x1, s21, s17, $0xb8;
	[tilespmem:$0x8A00] =	vst v63  }
0x2d: {  	s24 =	simm.s32 $0x2400  }
0x2e: {  	[tilespmem:s24], [sflag:$0x1] =	stream.indirect.gather [hbm4b:s4+s17], $0x20, s25, s17, $0xb8;
	[tilespmem:$0x8A00] =	vst v63  }
0x2f: {  	s22 =	simm.s32 $0x6400  }
0x30: {  	[tilespmem:s22], [sflag:$0x1] =	stream.indirect.gather [hbm4b:s5+s17], $0x20, s28, s17, $0xb8;
	[tilespmem:$0x8A00] =	vst v63  }
0x31: {  	s23 =	simm.s32 $0x8500  }
0x32: {  	[tilespmem:s23], [sflag:$0x1] =	stream.indirect.gather [hbm4b:s6+s17], $0x1, s25, s17, $0xb8;
	[tilespmem:$0x8A00] =	vst v63  }
0x33: {  	s24 =	simm.s32 $0x8700  }
0x34: {  	[tilespmem:s24], [sflag:$0x1] =	stream.indirect.gather [hbm4b:s1+s17], $0x1, s28, s17, $0xb8;
	[tilespmem:$0x8A00] =	vst v63  }
0x35: {  	s22 =	simm.s32 $0x3400  }
0x36: {  	[tilespmem:s22], [sflag:$0x1] =	stream.indirect.gather [hbm4b:s4+s17], $0x20, s0, s17, $0xb8;
	[tilespmem:$0x8A00] =	vst v63  }
0x37: {  	s23 =	simm.s32 $0x7400  }
0x38: {  	[tilespmem:s23], [sflag:$0x1] =	stream.indirect.gather [hbm4b:s5+s17], $0x20, s20, s17, $0xb8;
	[tilespmem:$0x8A00] =	vst v63  }
0x39: {  	s24 =	simm.s32 $0x8580  }
0x3a: {  	[tilespmem:s24], [sflag:$0x1] =	stream.indirect.gather [hbm4b:s6+s17], $0x1, s0, s17, $0xb8;
	[tilespmem:$0x8A00] =	vst v63  }
0x3b: {  	s22 =	simm.s32 $0x8780  }
0x3c: {  	[tilespmem:s22], [sflag:$0x1] =	stream.indirect.gather [hbm4b:s1+s17], $0x1, s20, s17, $0xb8;
	[tilespmem:$0x8A00] =	vst v63  }
0x3d: {  	_ =	swait.ge [sflag:s26], $0x1000  }
0x3e: {  	[sflag:s26] =	ssyncset.done $0x0  }
0x3f: {  	[sflag:s26] =	ssyncadd.s32 $0xFFFFF000  }
0x40: {  	_ =	swait.ge [sflag:s26], $0x1000  }
0x41: {  	[sflag:s26] =	ssyncset.done $0x0  }
0x42: {  	[sflag:s26] =	ssyncadd.s32 $0xFFFFF000  }
0x43: {  	_ =	swait.ge [sflag:s26], $0x80  }
0x44: {  	[sflag:s26] =	ssyncset.done $0x0  }
0x45: {  	[sflag:s26] =	ssyncadd.s32 $0xFFFFFF80  }
0x46: {  	_ =	swait.ge [sflag:s26], $0x80  }
0x47: {  	[sflag:s26] =	ssyncset.done $0x0  }
0x48: {  	[sflag:s26] =	ssyncadd.s32 $0xFFFFFF80  }
0x49: {  	_ =	swait.ge [sflag:s26], $0x1000  }
0x4a: {  	[sflag:s26] =	ssyncset.done $0x0  }
0x4b: {  	[sflag:s26] =	ssyncadd.s32 $0xFFFFF000  }
0x4c: {  	_ =	swait.ge [sflag:s26], $0x1000  }
0x4d: {  	[sflag:s26] =	ssyncset.done $0x0  }
0x4e: {  	[sflag:s26] =	ssyncadd.s32 $0xFFFFF000  }
0x4f: {  	_ =	swait.ge [sflag:s26], $0x80  }
0x50: {  	[sflag:s26] =	ssyncset.done $0x0  }
0x51: {  	[sflag:s26] =	ssyncadd.s32 $0xFFFFFF80  }
0x52: {  	_ =	swait.ge [sflag:s26], $0x80  }
0x53: {  	[sflag:s26] =	ssyncset.done $0x0  }
0x54: {  	[sflag:s26] =	ssyncadd.s32 $0xFFFFFF80  }
0x55: {  	_ =	swait.ge [sflag:s26], $0x1000  }
0x56: {  	[sflag:s26] =	ssyncset.done $0x0  }
0x57: {  	[sflag:s26] =	ssyncadd.s32 $0xFFFFF000  }
0x58: {  	_ =	swait.ge [sflag:s26], $0x1000  }
0x59: {  	[sflag:s26] =	ssyncset.done $0x0  }
0x5a: {  	[sflag:s26] =	ssyncadd.s32 $0xFFFFF000  }
0x5b: {  	_ =	swait.ge [sflag:s26], $0x80  }
0x5c: {  	[sflag:s26] =	ssyncset.done $0x0  }
0x5d: {  	[sflag:s26] =	ssyncadd.s32 $0xFFFFFF80  }
0x5e: {  	_ =	swait.ge [sflag:s26], $0x80  }
0x5f: {  	[sflag:s26] =	ssyncset.done $0x0  }
0x60: {  	[sflag:s26] =	ssyncadd.s32 $0xFFFFFF80  }
0x61: {  	_ =	swait.ge [sflag:s26], $0x1000  }
0x62: {  	[sflag:s26] =	ssyncset.done $0x0  }
0x63: {  	[sflag:s26] =	ssyncadd.s32 $0xFFFFF000  }
0x64: {  	_ =	swait.ge [sflag:s26], $0x1000  }
0x65: {  	[sflag:s26] =	ssyncset.done $0x0  }
0x66: {  	v1 =	vmov s3;
	[sflag:s26] =	ssyncadd.s32 $0xFFFFF000  }
0x67: {  	v1 =	vshll.u32 v1, $0x5;
	_ =	swait.ge [sflag:s26], $0x80  }
0x68: {  	v1 =	vor.u32 v0, v1;
	[sflag:s26] =	ssyncset.done $0x0  }
0x69: {  	[sflag:s26] =	ssyncadd.s32 $0xFFFFFF80  }
0x6a: {  	v2 =	vor.u32 $0x1, v1;
	_ =	swait.ge [sflag:s26], $0x80  }
0x6b: {  	[sflag:s26] =	ssyncset.done $0x0  }
0x6c: {  	v3 =	vor.u32 $0x2, v1;
	[sflag:s26] =	ssyncadd.s32 $0xFFFFFF80  }
0x6d: {  	v4 =	vld.idx.msk [tilespmem:v1+s19+$0x0], $0xffff  }
0x6e: {  	v6 =	vor.u32 $0x3, v1;
	v5 =	vld.idx.msk [tilespmem:v1+s18+$0x0], $0xffff  }
0x6f: {  	v7 =	vld.idx.msk [tilespmem:v2+s18+$0x0], $0xffff  }
0x70: {  	v8 =	vor.u32 $0x4, v1;
	v2 =	vld.idx.msk [tilespmem:v2+s19+$0x0], $0xffff  }
0x71: {  	v9 =	vld.idx.msk [tilespmem:v3+s18+$0x0], $0xffff  }
0x72: {  	v10 =	vor.u32 $0x5, v1;
	v3 =	vld.idx.msk [tilespmem:v3+s19+$0x0], $0xffff  }
0x73: {  	v11 =	vld.idx.msk [tilespmem:v6+s18+$0x0], $0xffff;
	v4 =	vmul.f32 v4, v5  }
0x74: {  	v40 =	vor.u32 $0x6, v1;
	v39 =	vld.idx.msk [tilespmem:v6+s19+$0x0], $0xffff  }
0x75: {  	v12 =	vld.idx.msk [tilespmem:v8+s18+$0x0], $0xffff;
	v2 =	vmul.f32 v2, v7;
	v4 =	vadd.f32 $0.0e+00, v4  }
0x76: {  	v42 =	vor.u32 $0x7, v1;
	v41 =	vld.idx.msk [tilespmem:v8+s19+$0x0], $0xffff  }
0x77: {  	v13 =	vld.idx.msk [tilespmem:v10+s18+$0x0], $0xffff;
	v3 =	vmul.f32 v3, v9;
	v2 =	vadd.f32 v2, v4  }
0x78: {  	v44 =	vor.u32 $0x8, v1;
	v43 =	vld.idx.msk [tilespmem:v10+s19+$0x0], $0xffff  }
0x79: {  	v45 =	vld.idx.msk [tilespmem:v40+s18+$0x0], $0xffff;
	v2 =	vadd.f32 v3, v2;
	v3 =	vmul.f32 v39, v11  }
0x7a: {  	v47 =	vor.u32 $0x9, v1;
	v46 =	vld.idx.msk [tilespmem:v40+s19+$0x0], $0xffff  }
0x7b: {  	v48 =	vld.idx.msk [tilespmem:v42+s18+$0x0], $0xffff;
	v2 =	vadd.f32 v3, v2;
	v3 =	vmul.f32 v41, v12  }
0x7c: {  	v50 =	vor.u32 $0xA, v1;
	v49 =	vld.idx.msk [tilespmem:v42+s19+$0x0], $0xffff  }
0x7d: {  	v51 =	vld.idx.msk [tilespmem:v44+s18+$0x0], $0xffff;
	v2 =	vadd.f32 v3, v2;
	v3 =	vmul.f32 v43, v13  }
0x7e: {  	v53 =	vor.u32 $0xB, v1;
	v52 =	vld.idx.msk [tilespmem:v44+s19+$0x0], $0xffff  }
0x7f: {  	v54 =	vld.idx.msk [tilespmem:v47+s18+$0x0], $0xffff;
	v2 =	vadd.f32 v3, v2;
	v3 =	vmul.f32 v46, v45  }
0x80: {  	v56 =	vor.u32 $0xC, v1;
	v55 =	vld.idx.msk [tilespmem:v47+s19+$0x0], $0xffff  }
0x81: {  	v57 =	vld.idx.msk [tilespmem:v50+s18+$0x0], $0xffff;
	v2 =	vadd.f32 v3, v2;
	v3 =	vmul.f32 v49, v48  }
0x82: {  	v59 =	vor.u32 $0xD, v1;
	v58 =	vld.idx.msk [tilespmem:v50+s19+$0x0], $0xffff  }
0x83: {  	v60 =	vld.idx.msk [tilespmem:v53+s18+$0x0], $0xffff;
	v2 =	vadd.f32 v3, v2;
	v3 =	vmul.f32 v52, v51  }
0x84: {  	v62 =	vor.u32 $0xE, v1;
	v61 =	vld.idx.msk [tilespmem:v53+s19+$0x0], $0xffff  }
0x85: {  	v63 =	vld.idx.msk [tilespmem:v56+s18+$0x0], $0xffff;
	v2 =	vadd.f32 v3, v2;
	v3 =	vmul.f32 v55, v54  }
0x86: {  	v17 =	vor.u32 $0xF, v1;
	v16 =	vld.idx.msk [tilespmem:v56+s19+$0x0], $0xffff  }
0x87: {  	v18 =	vld.idx.msk [tilespmem:v59+s18+$0x0], $0xffff;
	v2 =	vadd.f32 v3, v2;
	v3 =	vmul.f32 v58, v57  }
0x88: {  	v20 =	vor.u32 $0x10, v1;
	v19 =	vld.idx.msk [tilespmem:v59+s19+$0x0], $0xffff  }
0x89: {  	v21 =	vld.idx.msk [tilespmem:v62+s18+$0x0], $0xffff;
	v2 =	vadd.f32 v3, v2;
	v3 =	vmul.f32 v61, v60  }
0x8a: {  	v23 =	vor.u32 $0x11, v1;
	v22 =	vld.idx.msk [tilespmem:v62+s19+$0x0], $0xffff  }
0x8b: {  	v24 =	vld.idx.msk [tilespmem:v17+s18+$0x0], $0xffff;
	v2 =	vadd.f32 v3, v2;
	v3 =	vmul.f32 v16, v63  }
0x8c: {  	v26 =	vor.u32 $0x12, v1;
	v25 =	vld.idx.msk [tilespmem:v17+s19+$0x0], $0xffff  }
0x8d: {  	v27 =	vld.idx.msk [tilespmem:v20+s18+$0x0], $0xffff;
	v2 =	vadd.f32 v3, v2;
	v3 =	vmul.f32 v19, v18  }
0x8e: {  	v29 =	vor.u32 $0x13, v1;
	v28 =	vld.idx.msk [tilespmem:v20+s19+$0x0], $0xffff  }
0x8f: {  	v30 =	vld.idx.msk [tilespmem:v23+s18+$0x0], $0xffff;
	v2 =	vadd.f32 v3, v2;
	v3 =	vmul.f32 v22, v21  }
0x90: {  	v32 =	vor.u32 $0x14, v1;
	v31 =	vld.idx.msk [tilespmem:v23+s19+$0x0], $0xffff  }
0x91: {  	v33 =	vld.idx.msk [tilespmem:v26+s18+$0x0], $0xffff;
	v2 =	vadd.f32 v3, v2;
	v3 =	vmul.f32 v25, v24  }
0x92: {  	v35 =	vor.u32 $0x15, v1;
	v34 =	vld.idx.msk [tilespmem:v26+s19+$0x0], $0xffff  }
0x93: {  	v36 =	vld.idx.msk [tilespmem:v29+s18+$0x0], $0xffff;
	v2 =	vadd.f32 v3, v2;
	v3 =	vmul.f32 v28, v27  }
0x94: {  	v38 =	vor.u32 $0x16, v1;
	v37 =	vld.idx.msk [tilespmem:v29+s19+$0x0], $0xffff  }
0x95: {  	v40 =	vld.idx.msk [tilespmem:v32+s19+$0x0], $0xffff;
	v2 =	vadd.f32 v3, v2;
	v3 =	vmul.f32 v31, v30  }
0x96: {  	v39 =	vld.idx.msk [tilespmem:v32+s18+$0x0], $0xffff;
	v41 =	vor.u32 $0x17, v1  }
0x97: {  	v42 =	vld.idx.msk [tilespmem:v35+s18+$0x0], $0xffff;
	v2 =	vadd.f32 v3, v2;
	v3 =	vmul.f32 v34, v33  }
0x98: {  	v44 =	vor.u32 $0x18, v1;
	v43 =	vld.idx.msk [tilespmem:v35+s19+$0x0], $0xffff  }
0x99: {  	v45 =	vld.idx.msk [tilespmem:v38+s18+$0x0], $0xffff;
	v2 =	vadd.f32 v3, v2;
	v3 =	vmul.f32 v37, v36  }
0x9a: {  	v47 =	vor.u32 $0x19, v1;
	v46 =	vld.idx.msk [tilespmem:v38+s19+$0x0], $0xffff  }
0x9b: {  	v48 =	vld.idx.msk [tilespmem:v41+s18+$0x0], $0xffff;
	v2 =	vadd.f32 v3, v2;
	v3 =	vmul.f32 v40, v39  }
0x9c: {  	v50 =	vor.u32 $0x1A, v1;
	v49 =	vld.idx.msk [tilespmem:v41+s19+$0x0], $0xffff  }
0x9d: {  	v51 =	vld.idx.msk [tilespmem:v44+s18+$0x0], $0xffff;
	v2 =	vadd.f32 v3, v2;
	v3 =	vmul.f32 v43, v42  }
0x9e: {  	v53 =	vor.u32 $0x1B, v1;
	v52 =	vld.idx.msk [tilespmem:v44+s19+$0x0], $0xffff  }
0x9f: {  	v54 =	vld.idx.msk [tilespmem:v47+s18+$0x0], $0xffff;
	v2 =	vadd.f32 v3, v2;
	v3 =	vmul.f32 v46, v45  }
0xa0: {  	v56 =	vor.u32 $0x1C, v1;
	v55 =	vld.idx.msk [tilespmem:v47+s19+$0x0], $0xffff  }
0xa1: {  	v57 =	vld.idx.msk [tilespmem:v50+s18+$0x0], $0xffff;
	v2 =	vadd.f32 v3, v2;
	v3 =	vmul.f32 v49, v48  }
0xa2: {  	v59 =	vor.u32 $0x1D, v1;
	v58 =	vld.idx.msk [tilespmem:v50+s19+$0x0], $0xffff  }
0xa3: {  	v60 =	vld.idx.msk [tilespmem:v53+s18+$0x0], $0xffff;
	v2 =	vadd.f32 v3, v2;
	v3 =	vmul.f32 v52, v51  }
0xa4: {  	v62 =	vor.u32 $0x1E, v1;
	v61 =	vld.idx.msk [tilespmem:v53+s19+$0x0], $0xffff  }
0xa5: {  	v15 =	vld.idx.msk [tilespmem:v56+s19+$0x0], $0xffff;
	v2 =	vadd.f32 v3, v2;
	v3 =	vmul.f32 v55, v54  }
0xa6: {  	v1 =	vor.u32 $0x1F, v1;
	v63 =	vld.idx.msk [tilespmem:v56+s18+$0x0], $0xffff  }
0xa7: {  	v17 =	vld.idx.msk [tilespmem:v59+s19+$0x0], $0xffff;
	v2 =	vadd.f32 v3, v2;
	v3 =	vmul.f32 v58, v57  }
0xa8: {  	v16 =	vld.idx.msk [tilespmem:v59+s18+$0x0], $0xffff  }
0xa9: {  	v18 =	vld.idx.msk [tilespmem:v62+s18+$0x0], $0xffff;
	v2 =	vadd.f32 v3, v2;
	v3 =	vmul.f32 v61, v60  }
0xaa: {  	v19 =	vld.idx.msk [tilespmem:v62+s19+$0x0], $0xffff  }
0xab: {  	v20 =	vld.idx.msk [tilespmem:v1+s18+$0x0], $0xffff;
	v2 =	vadd.f32 v3, v2;
	v3 =	vmul.f32 v15, v63  }
0xac: {  	v1 =	vld.idx.msk [tilespmem:v1+s19+$0x0], $0xffff  }
0xad: {  	v2 =	vadd.f32 v3, v2;
	v3 =	vmul.f32 v17, v16;
	_ =	sdelay $0x1  }
0xae: {  	v2 =	vadd.f32 v3, v2;
	v3 =	vmul.f32 v19, v18  }
0xaf: {  	v21 =	vld [tilespmem:s30+$0x0]  }
0xb0: {  	v1 =	vmul.f32 v1, v20;
	v2 =	vadd.f32 v3, v2  }
0xb1: {  	v3 =	vld [tilespmem:s31+$0x0]  }
0xb2: {  	v1 =	vadd.f32 v1, v2;
	_ =	sdelay $0x1  }
0xb3: {  	v1 =	vadd.f32 v1, v21;
	_ =	sdelay $0x1  }
0xb4: {  	v1 =	vadd.f32 v1, v3;
	_ =	sdelay $0x1  }
0xb5: {  	v1 =	vsub.f32 $0.0e+00, v1;
	_ =	sdelay $0x1  }
0xb6: {  	v1 =	vmul.f32 $1.442695020e+00, v1;
	_ =	sdelay $0x1  }
0xb7: {  	(erf) = vpow2.f32 v1;
	_ =	sdelay $0x8  }
0xb8: {  	v1 =	vpop (erf)  }
0xb9: {  	v1 =	vadd.f32 $1.000000000e+00, v1;
	_ =	sdelay $0x1  }
0xba: {  	(erf) = vrcp.f32 v1;
	_ =	sdelay $0x2  }
0xbb: {  	s23 =	simm.s32 $0x10  }
0xbc: {  	v1 =	vmov s23  }
0xbd: {  	v1 =	vshll.u32 v1, $0x5  }
0xbe: {  	v1 =	vor.u32 v0, v1;
	_ =	sdelay $0x1  }
0xbf: {  	v2 =	vor.u32 $0x1, v1  }
0xc0: {  	v3 =	vpop (erf)  }
0xc1: {  	v22 =	vor.u32 $0x2, v1;
	[tilespmem:s29+$0x0] =	vst v3  }
0xc2: {  	v3 =	vld.idx.msk [tilespmem:v1+s19+$0x0], $0xffff  }
0xc3: {  	v24 =	vor.u32 $0x3, v1;
	v23 =	vld.idx.msk [tilespmem:v1+s18+$0x0], $0xffff  }
0xc4: {  	v25 =	vld.idx.msk [tilespmem:v2+s18+$0x0], $0xffff  }
0xc5: {  	v26 =	vor.u32 $0x4, v1;
	v2 =	vld.idx.msk [tilespmem:v2+s19+$0x0], $0xffff  }
0xc6: {  	v27 =	vld.idx.msk [tilespmem:v22+s18+$0x0], $0xffff  }
0xc7: {  	v28 =	vor.u32 $0x5, v1;
	v4 =	vld.idx.msk [tilespmem:v22+s19+$0x0], $0xffff  }
0xc8: {  	v29 =	vld.idx.msk [tilespmem:v24+s18+$0x0], $0xffff;
	v3 =	vmul.f32 v3, v23  }
0xc9: {  	v31 =	vor.u32 $0x6, v1;
	v30 =	vld.idx.msk [tilespmem:v24+s19+$0x0], $0xffff  }
0xca: {  	v32 =	vld.idx.msk [tilespmem:v26+s18+$0x0], $0xffff;
	v2 =	vmul.f32 v2, v25;
	v3 =	vadd.f32 $0.0e+00, v3  }
0xcb: {  	v34 =	vor.u32 $0x7, v1;
	v33 =	vld.idx.msk [tilespmem:v26+s19+$0x0], $0xffff  }
0xcc: {  	v35 =	vld.idx.msk [tilespmem:v28+s18+$0x0], $0xffff;
	v2 =	vadd.f32 v2, v3;
	v3 =	vmul.f32 v4, v27  }
0xcd: {  	v37 =	vor.u32 $0x8, v1;
	v36 =	vld.idx.msk [tilespmem:v28+s19+$0x0], $0xffff  }
0xce: {  	v38 =	vld.idx.msk [tilespmem:v31+s18+$0x0], $0xffff;
	v2 =	vadd.f32 v3, v2;
	v3 =	vmul.f32 v30, v29  }
0xcf: {  	v40 =	vor.u32 $0x9, v1;
	v39 =	vld.idx.msk [tilespmem:v31+s19+$0x0], $0xffff  }
0xd0: {  	v41 =	vld.idx.msk [tilespmem:v34+s18+$0x0], $0xffff;
	v2 =	vadd.f32 v3, v2;
	v3 =	vmul.f32 v33, v32  }
0xd1: {  	v43 =	vor.u32 $0xA, v1;
	v42 =	vld.idx.msk [tilespmem:v34+s19+$0x0], $0xffff  }
0xd2: {  	v44 =	vld.idx.msk [tilespmem:v37+s18+$0x0], $0xffff;
	v2 =	vadd.f32 v3, v2;
	v3 =	vmul.f32 v36, v35  }
0xd3: {  	v46 =	vor.u32 $0xB, v1;
	v45 =	vld.idx.msk [tilespmem:v37+s19+$0x0], $0xffff  }
0xd4: {  	v47 =	vld.idx.msk [tilespmem:v40+s18+$0x0], $0xffff;
	v2 =	vadd.f32 v3, v2;
	v3 =	vmul.f32 v39, v38  }
0xd5: {  	v49 =	vor.u32 $0xC, v1;
	v48 =	vld.idx.msk [tilespmem:v40+s19+$0x0], $0xffff  }
0xd6: {  	v50 =	vld.idx.msk [tilespmem:v43+s18+$0x0], $0xffff;
	v2 =	vadd.f32 v3, v2;
	v3 =	vmul.f32 v42, v41  }
0xd7: {  	v52 =	vor.u32 $0xD, v1;
	v51 =	vld.idx.msk [tilespmem:v43+s19+$0x0], $0xffff  }
0xd8: {  	v53 =	vld.idx.msk [tilespmem:v46+s18+$0x0], $0xffff;
	v2 =	vadd.f32 v3, v2;
	v3 =	vmul.f32 v45, v44  }
0xd9: {  	v55 =	vor.u32 $0xE, v1;
	v54 =	vld.idx.msk [tilespmem:v46+s19+$0x0], $0xffff  }
0xda: {  	v56 =	vld.idx.msk [tilespmem:v49+s18+$0x0], $0xffff;
	v2 =	vadd.f32 v3, v2;
	v3 =	vmul.f32 v48, v47  }
0xdb: {  	v58 =	vor.u32 $0xF, v1;
	v57 =	vld.idx.msk [tilespmem:v49+s19+$0x0], $0xffff  }
0xdc: {  	v59 =	vld.idx.msk [tilespmem:v52+s18+$0x0], $0xffff;
	v2 =	vadd.f32 v3, v2;
	v3 =	vmul.f32 v51, v50  }
0xdd: {  	v61 =	vor.u32 $0x10, v1;
	v60 =	vld.idx.msk [tilespmem:v52+s19+$0x0], $0xffff  }
0xde: {  	v62 =	vld.idx.msk [tilespmem:v55+s18+$0x0], $0xffff;
	v2 =	vadd.f32 v3, v2;
	v3 =	vmul.f32 v54, v53  }
0xdf: {  	v16 =	vor.u32 $0x11, v1;
	v63 =	vld.idx.msk [tilespmem:v55+s19+$0x0], $0xffff  }
0xe0: {  	v17 =	vld.idx.msk [tilespmem:v58+s18+$0x0], $0xffff;
	v2 =	vadd.f32 v3, v2;
	v3 =	vmul.f32 v57, v56  }
0xe1: {  	v19 =	vor.u32 $0x12, v1;
	v18 =	vld.idx.msk [tilespmem:v58+s19+$0x0], $0xffff  }
0xe2: {  	v20 =	vld.idx.msk [tilespmem:v61+s18+$0x0], $0xffff;
	v2 =	vadd.f32 v3, v2;
	v3 =	vmul.f32 v60, v59  }
0xe3: {  	v21 =	vld.idx.msk [tilespmem:v61+s19+$0x0], $0xffff;
	v22 =	vor.u32 $0x13, v1  }
0xe4: {  	v24 =	vld.idx.msk [tilespmem:v16+s19+$0x0], $0xffff;
	v2 =	vadd.f32 v3, v2;
	v3 =	vmul.f32 v63, v62  }
0xe5: {  	v23 =	vld.idx.msk [tilespmem:v16+s18+$0x0], $0xffff;
	v25 =	vor.u32 $0x14, v1  }
0xe6: {  	v26 =	vld.idx.msk [tilespmem:v19+s18+$0x0], $0xffff;
	v2 =	vadd.f32 v3, v2;
	v3 =	vmul.f32 v18, v17  }
0xe7: {  	v28 =	vor.u32 $0x15, v1;
	v27 =	vld.idx.msk [tilespmem:v19+s19+$0x0], $0xffff  }
0xe8: {  	v29 =	vld.idx.msk [tilespmem:v22+s18+$0x0], $0xffff;
	v2 =	vadd.f32 v3, v2;
	v3 =	vmul.f32 v21, v20  }
0xe9: {  	v31 =	vor.u32 $0x16, v1;
	v30 =	vld.idx.msk [tilespmem:v22+s19+$0x0], $0xffff  }
0xea: {  	v32 =	vld.idx.msk [tilespmem:v25+s18+$0x0], $0xffff;
	v2 =	vadd.f32 v3, v2;
	v3 =	vmul.f32 v24, v23  }
0xeb: {  	v34 =	vor.u32 $0x17, v1;
	v33 =	vld.idx.msk [tilespmem:v25+s19+$0x0], $0xffff  }
0xec: {  	v35 =	vld.idx.msk [tilespmem:v28+s18+$0x0], $0xffff;
	v2 =	vadd.f32 v3, v2;
	v3 =	vmul.f32 v27, v26  }
0xed: {  	v37 =	vor.u32 $0x18, v1;
	v36 =	vld.idx.msk [tilespmem:v28+s19+$0x0], $0xffff  }
0xee: {  	v38 =	vld.idx.msk [tilespmem:v31+s18+$0x0], $0xffff;
	v2 =	vadd.f32 v3, v2;
	v3 =	vmul.f32 v30, v29  }
0xef: {  	v40 =	vor.u32 $0x19, v1;
	v39 =	vld.idx.msk [tilespmem:v31+s19+$0x0], $0xffff  }
0xf0: {  	v41 =	vld.idx.msk [tilespmem:v34+s18+$0x0], $0xffff;
	v2 =	vadd.f32 v3, v2;
	v3 =	vmul.f32 v33, v32  }
0xf1: {  	v43 =	vor.u32 $0x1A, v1;
	v42 =	vld.idx.msk [tilespmem:v34+s19+$0x0], $0xffff  }
0xf2: {  	v44 =	vld.idx.msk [tilespmem:v37+s18+$0x0], $0xffff;
	v2 =	vadd.f32 v3, v2;
	v3 =	vmul.f32 v36, v35  }
0xf3: {  	v46 =	vor.u32 $0x1B, v1;
	v45 =	vld.idx.msk [tilespmem:v37+s19+$0x0], $0xffff  }
0xf4: {  	v47 =	vld.idx.msk [tilespmem:v40+s18+$0x0], $0xffff;
	v2 =	vadd.f32 v3, v2;
	v3 =	vmul.f32 v39, v38  }
0xf5: {  	v49 =	vor.u32 $0x1C, v1;
	v48 =	vld.idx.msk [tilespmem:v40+s19+$0x0], $0xffff  }
0xf6: {  	v50 =	vld.idx.msk [tilespmem:v43+s18+$0x0], $0xffff;
	v2 =	vadd.f32 v3, v2;
	v3 =	vmul.f32 v42, v41  }
0xf7: {  	v52 =	vor.u32 $0x1D, v1;
	v51 =	vld.idx.msk [tilespmem:v43+s19+$0x0], $0xffff  }
0xf8: {  	v53 =	vld.idx.msk [tilespmem:v46+s18+$0x0], $0xffff;
	v2 =	vadd.f32 v3, v2;
	v3 =	vmul.f32 v45, v44  }
0xf9: {  	v55 =	vor.u32 $0x1E, v1;
	v54 =	vld.idx.msk [tilespmem:v46+s19+$0x0], $0xffff  }
0xfa: {  	v56 =	vld.idx.msk [tilespmem:v49+s18+$0x0], $0xffff;
	v2 =	vadd.f32 v3, v2;
	v3 =	vmul.f32 v48, v47  }
0xfb: {  	v1 =	vor.u32 $0x1F, v1;
	v57 =	vld.idx.msk [tilespmem:v49+s19+$0x0], $0xffff  }
0xfc: {  	v58 =	vld.idx.msk [tilespmem:v52+s18+$0x0], $0xffff;
	v2 =	vadd.f32 v3, v2;
	v3 =	vmul.f32 v51, v50  }
0xfd: {  	v59 =	vld.idx.msk [tilespmem:v52+s19+$0x0], $0xffff  }
0xfe: {  	v61 =	vld.idx.msk [tilespmem:v55+s19+$0x0], $0xffff;
	v2 =	vadd.f32 v3, v2;
	v3 =	vmul.f32 v54, v53  }
0xff: {  	v60 =	vld.idx.msk [tilespmem:v55+s18+$0x0], $0xffff  }
0x100: {  	v62 =	vld.idx.msk [tilespmem:v1+s18+$0x0], $0xffff;
	v2 =	vadd.f32 v3, v2;
	v3 =	vmul.f32 v57, v56  }
0x101: {  	v1 =	vld.idx.msk [tilespmem:v1+s19+$0x0], $0xffff  }
0x102: {  	v2 =	vadd.f32 v3, v2;
	v3 =	vmul.f32 v59, v58;
	_ =	sdelay $0x1  }
0x103: {  	s22 =	simm.s32 $0x8410;
	v2 =	vadd.f32 v3, v2;
	v3 =	vmul.f32 v61, v60  }
0x104: {  	v63 =	vld [tilespmem:s22+$0x0]  }
0x105: {  	s23 =	simm.s32 $0x8610;
	v1 =	vmul.f32 v1, v62;
	v2 =	vadd.f32 v3, v2  }
0x106: {  	v3 =	vld [tilespmem:s23+$0x0]  }
0x107: {  	v1 =	vadd.f32 v1, v2;
	_ =	sdelay $0x1  }
0x108: {  	v1 =	vadd.f32 v1, v63;
	_ =	sdelay $0x1  }
0x109: {  	v1 =	vadd.f32 v1, v3;
	_ =	sdelay $0x1  }
0x10a: {  	v1 =	vsub.f32 $0.0e+00, v1;
	_ =	sdelay $0x1  }
0x10b: {  	v1 =	vmul.f32 $1.442695020e+00, v1;
	_ =	sdelay $0x1  }
0x10c: {  	(erf) = vpow2.f32 v1;
	_ =	sdelay $0x8  }
0x10d: {  	v1 =	vpop (erf)  }
0x10e: {  	v1 =	vadd.f32 $1.000000000e+00, v1;
	_ =	sdelay $0x1  }
0x10f: {  	(erf) = vrcp.f32 v1;
	_ =	sdelay $0x2  }
0x110: {  	s24 =	simm.s32 $0x20  }
0x111: {  	v2 =	vmov s24  }
0x112: {  	s21 =	simm.s32 $0x30;
	s24 =	simm.s32 $0x8800;
	v1 =	vshll.u32 v2, $0x5  }
.LBB2_2:
0x113: {  	p0 =	sne.s32 s21, $0x1F0;
	v1 =	vor.u32 v0, v1;
	_ =	sdelay $0x1  }
0x114: {  	v2 =	vor.u32 $0x1, v1  }
0x115: {  	s24 =	sadd.s32 $0x10, s24;
	v3 =	vpop (erf)  }
0x116: {  	v4 =	vor.u32 $0x2, v1;
	[tilespmem:s24+$0x0] =	vst v3  }
0x117: {  	v3 =	vld.idx.msk [tilespmem:v1+s19+$0x0], $0xffff  }
0x118: {  	v6 =	vor.u32 $0x3, v1;
	v5 =	vld.idx.msk [tilespmem:v1+s18+$0x0], $0xffff  }
0x119: {  	v7 =	vld.idx.msk [tilespmem:v2+s18+$0x0], $0xffff  }
0x11a: {  	v8 =	vor.u32 $0x4, v1;
	v2 =	vld.idx.msk [tilespmem:v2+s19+$0x0], $0xffff  }
0x11b: {  	v9 =	vld.idx.msk [tilespmem:v4+s18+$0x0], $0xffff  }
0x11c: {  	v10 =	vor.u32 $0x5, v1;
	v4 =	vld.idx.msk [tilespmem:v4+s19+$0x0], $0xffff  }
0x11d: {  	v11 =	vld.idx.msk [tilespmem:v6+s18+$0x0], $0xffff  }
0x11e: {  	v3 =	vmul.f32 v3, v5;
	v5 =	vld.idx.msk [tilespmem:v6+s19+$0x0], $0xffff;
	v6 =	vor.u32 $0x6, v1  }
0x11f: {  	v12 =	vld.idx.msk [tilespmem:v8+s18+$0x0], $0xffff  }
0x120: {  	v3 =	vadd.f32 $0.0e+00, v3;
	v2 =	vmul.f32 v2, v7;
	v7 =	vld.idx.msk [tilespmem:v8+s19+$0x0], $0xffff;
	v8 =	vor.u32 $0x7, v1  }
0x121: {  	v13 =	vld.idx.msk [tilespmem:v10+s18+$0x0], $0xffff  }
0x122: {  	v2 =	vadd.f32 v2, v3;
	v3 =	vmul.f32 v4, v9;
	v9 =	vor.u32 $0x8, v1;
	v4 =	vld.idx.msk [tilespmem:v10+s19+$0x0], $0xffff  }
0x123: {  	v10 =	vld.idx.msk [tilespmem:v6+s18+$0x0], $0xffff  }
0x124: {  	v2 =	vadd.f32 v3, v2;
	v3 =	vmul.f32 v5, v11;
	v5 =	vld.idx.msk [tilespmem:v6+s19+$0x0], $0xffff;
	v6 =	vor.u32 $0x9, v1  }
0x125: {  	v11 =	vld.idx.msk [tilespmem:v8+s18+$0x0], $0xffff  }
0x126: {  	v2 =	vadd.f32 v3, v2;
	v3 =	vmul.f32 v7, v12;
	v7 =	vld.idx.msk [tilespmem:v8+s19+$0x0], $0xffff;
	v8 =	vor.u32 $0xA, v1  }
0x127: {  	v12 =	vld.idx.msk [tilespmem:v9+s18+$0x0], $0xffff  }
0x128: {  	v2 =	vadd.f32 v3, v2;
	v3 =	vmul.f32 v4, v13;
	v4 =	vld.idx.msk [tilespmem:v9+s19+$0x0], $0xffff;
	v9 =	vor.u32 $0xB, v1  }
0x129: {  	v13 =	vld.idx.msk [tilespmem:v6+s18+$0x0], $0xffff  }
0x12a: {  	v2 =	vadd.f32 v3, v2;
	v3 =	vmul.f32 v5, v10;
	v5 =	vld.idx.msk [tilespmem:v6+s19+$0x0], $0xffff;
	v6 =	vor.u32 $0xC, v1  }
0x12b: {  	v10 =	vld.idx.msk [tilespmem:v8+s18+$0x0], $0xffff  }
0x12c: {  	v2 =	vadd.f32 v3, v2;
	v3 =	vmul.f32 v7, v11;
	v7 =	vld.idx.msk [tilespmem:v8+s19+$0x0], $0xffff;
	v8 =	vor.u32 $0xD, v1  }
0x12d: {  	v11 =	vld.idx.msk [tilespmem:v9+s18+$0x0], $0xffff  }
0x12e: {  	v2 =	vadd.f32 v3, v2;
	v3 =	vmul.f32 v4, v12;
	v4 =	vld.idx.msk [tilespmem:v9+s19+$0x0], $0xffff;
	v9 =	vor.u32 $0xE, v1  }
0x12f: {  	v12 =	vld.idx.msk [tilespmem:v6+s18+$0x0], $0xffff  }
0x130: {  	v2 =	vadd.f32 v3, v2;
	v3 =	vmul.f32 v5, v13;
	v5 =	vld.idx.msk [tilespmem:v6+s19+$0x0], $0xffff;
	v6 =	vor.u32 $0xF, v1  }
0x131: {  	v13 =	vld.idx.msk [tilespmem:v8+s18+$0x0], $0xffff  }
0x132: {  	v2 =	vadd.f32 v3, v2;
	v3 =	vmul.f32 v7, v10;
	v7 =	vld.idx.msk [tilespmem:v8+s19+$0x0], $0xffff;
	v8 =	vor.u32 $0x10, v1  }
0x133: {  	v10 =	vld.idx.msk [tilespmem:v9+s18+$0x0], $0xffff  }
0x134: {  	v2 =	vadd.f32 v3, v2;
	v3 =	vmul.f32 v4, v11;
	v4 =	vld.idx.msk [tilespmem:v9+s19+$0x0], $0xffff;
	v9 =	vor.u32 $0x11, v1  }
0x135: {  	v11 =	vld.idx.msk [tilespmem:v6+s18+$0x0], $0xffff  }
0x136: {  	v2 =	vadd.f32 v3, v2;
	v3 =	vmul.f32 v5, v12;
	v5 =	vld.idx.msk [tilespmem:v6+s19+$0x0], $0xffff;
	v6 =	vor.u32 $0x12, v1  }
0x137: {  	v12 =	vld.idx.msk [tilespmem:v8+s18+$0x0], $0xffff  }
0x138: {  	v2 =	vadd.f32 v3, v2;
	v3 =	vmul.f32 v7, v13;
	v7 =	vld.idx.msk [tilespmem:v8+s19+$0x0], $0xffff;
	v8 =	vor.u32 $0x13, v1  }
0x139: {  	v13 =	vld.idx.msk [tilespmem:v9+s18+$0x0], $0xffff  }
0x13a: {  	v2 =	vadd.f32 v3, v2;
	v3 =	vmul.f32 v4, v10;
	v4 =	vld.idx.msk [tilespmem:v9+s19+$0x0], $0xffff;
	v9 =	vor.u32 $0x14, v1  }
0x13b: {  	v10 =	vld.idx.msk [tilespmem:v6+s18+$0x0], $0xffff  }
0x13c: {  	v2 =	vadd.f32 v3, v2;
	v3 =	vmul.f32 v5, v11;
	v5 =	vld.idx.msk [tilespmem:v6+s19+$0x0], $0xffff;
	v6 =	vor.u32 $0x15, v1  }
0x13d: {  	v11 =	vld.idx.msk [tilespmem:v8+s18+$0x0], $0xffff  }
0x13e: {  	v2 =	vadd.f32 v3, v2;
	v3 =	vmul.f32 v7, v12;
	v7 =	vld.idx.msk [tilespmem:v8+s19+$0x0], $0xffff;
	v8 =	vor.u32 $0x16, v1  }
0x13f: {  	v12 =	vld.idx.msk [tilespmem:v9+s18+$0x0], $0xffff  }
0x140: {  	v2 =	vadd.f32 v3, v2;
	v3 =	vmul.f32 v4, v13;
	v4 =	vld.idx.msk [tilespmem:v9+s19+$0x0], $0xffff;
	v9 =	vor.u32 $0x17, v1  }
0x141: {  	v13 =	vld.idx.msk [tilespmem:v6+s18+$0x0], $0xffff  }
0x142: {  	v2 =	vadd.f32 v3, v2;
	v3 =	vmul.f32 v5, v10;
	v5 =	vld.idx.msk [tilespmem:v6+s19+$0x0], $0xffff;
	v6 =	vor.u32 $0x18, v1  }
0x143: {  	v10 =	vld.idx.msk [tilespmem:v8+s18+$0x0], $0xffff  }
0x144: {  	v2 =	vadd.f32 v3, v2;
	v3 =	vmul.f32 v7, v11;
	v7 =	vld.idx.msk [tilespmem:v8+s19+$0x0], $0xffff;
	v8 =	vor.u32 $0x19, v1  }
0x145: {  	v11 =	vld.idx.msk [tilespmem:v9+s18+$0x0], $0xffff  }
0x146: {  	v2 =	vadd.f32 v3, v2;
	v3 =	vmul.f32 v4, v12;
	v4 =	vld.idx.msk [tilespmem:v9+s19+$0x0], $0xffff;
	v9 =	vor.u32 $0x1A, v1  }
0x147: {  	v12 =	vld.idx.msk [tilespmem:v6+s18+$0x0], $0xffff  }
0x148: {  	v2 =	vadd.f32 v3, v2;
	v3 =	vmul.f32 v5, v13;
	v5 =	vld.idx.msk [tilespmem:v6+s19+$0x0], $0xffff;
	v6 =	vor.u32 $0x1B, v1  }
0x149: {  	v13 =	vld.idx.msk [tilespmem:v8+s18+$0x0], $0xffff  }
0x14a: {  	v2 =	vadd.f32 v3, v2;
	v3 =	vmul.f32 v7, v10;
	v7 =	vld.idx.msk [tilespmem:v8+s19+$0x0], $0xffff;
	v8 =	vor.u32 $0x1C, v1  }
0x14b: {  	v10 =	vld.idx.msk [tilespmem:v9+s18+$0x0], $0xffff  }
0x14c: {  	v2 =	vadd.f32 v3, v2;
	v3 =	vmul.f32 v4, v11;
	v4 =	vld.idx.msk [tilespmem:v9+s19+$0x0], $0xffff;
	v9 =	vor.u32 $0x1D, v1  }
0x14d: {  	v11 =	vld.idx.msk [tilespmem:v6+s18+$0x0], $0xffff  }
0x14e: {  	v2 =	vadd.f32 v3, v2;
	v3 =	vmul.f32 v5, v12;
	v5 =	vld.idx.msk [tilespmem:v6+s19+$0x0], $0xffff;
	v6 =	vor.u32 $0x1E, v1  }
0x14f: {  	v12 =	vld.idx.msk [tilespmem:v8+s18+$0x0], $0xffff  }
0x150: {  	v1 =	vor.u32 $0x1F, v1;
	v2 =	vadd.f32 v3, v2;
	v3 =	vmul.f32 v7, v13;
	v7 =	vld.idx.msk [tilespmem:v8+s19+$0x0], $0xffff  }
0x151: {  	v8 =	vld.idx.msk [tilespmem:v9+s18+$0x0], $0xffff  }
0x152: {  	v2 =	vadd.f32 v3, v2;
	v3 =	vmul.f32 v4, v10;
	v4 =	vld.idx.msk [tilespmem:v9+s19+$0x0], $0xffff  }
0x153: {  	v9 =	vld.idx.msk [tilespmem:v6+s18+$0x0], $0xffff  }
0x154: {  	v2 =	vadd.f32 v3, v2;
	v3 =	vmul.f32 v5, v11;
	v5 =	vld.idx.msk [tilespmem:v6+s19+$0x0], $0xffff  }
0x155: {  	v6 =	vld.idx.msk [tilespmem:v1+s18+$0x0], $0xffff  }
0x156: {  	v2 =	vadd.f32 v3, v2;
	v3 =	vmul.f32 v7, v12;
	v1 =	vld.idx.msk [tilespmem:v1+s19+$0x0], $0xffff;
	_ =	sdelay $0x1  }
0x157: {  	v2 =	vadd.f32 v3, v2;
	v3 =	vmul.f32 v4, v8;
	_ =	sdelay $0x1  }
0x158: {  	s22 =	sadd.s32 $0x10, s22;
	v2 =	vadd.f32 v3, v2;
	v3 =	vmul.f32 v5, v9  }
0x159: {  	v4 =	vld [tilespmem:s22+$0x0]  }
0x15a: {  	s23 =	sadd.s32 $0x10, s23;
	v2 =	vadd.f32 v3, v2;
	v1 =	vmul.f32 v1, v6  }
0x15b: {  	v3 =	vld [tilespmem:s23+$0x0]  }
0x15c: {  	v1 =	vadd.f32 v1, v2;
	_ =	sdelay $0x1  }
0x15d: {  	v1 =	vadd.f32 v1, v4;
	_ =	sdelay $0x1  }
0x15e: {  	v1 =	vadd.f32 v1, v3;
	_ =	sdelay $0x1  }
0x15f: {  	v1 =	vsub.f32 $0.0e+00, v1;
	_ =	sdelay $0x1  }
0x160: {  	v1 =	vmul.f32 $1.442695020e+00, v1;
	_ =	sdelay $0x1  }
0x161: {  	(erf) = vpow2.f32 v1;
	_ =	sdelay $0x8  }
0x162: {  	v1 =	vpop (erf)  }
0x163: {  	v1 =	vadd.f32 $1.000000000e+00, v1;
	_ =	sdelay $0x1  }
0x164: {  	(erf) = vrcp.f32 v1  }
.Ltmp0:
0x165: {  	(pc) =	sbr.rel @p0 .LBB2_2-.Ltmp0, $3  }
0x166: {  	_ =	sdelay $0x1  }
0x167: {  	v1 =	vmov s21  }
0x168: {  	s21 =	sadd.s32 $0x10, s21;
	v1 =	vshll.u32 v1, $0x5  }
0x169: {  	v1 =	vor.u32 v0, v1;
	_ =	sdelay $0x1  }
0x16a: {  	v2 =	vor.u32 $0x1, v1  }
0x16b: {  	s21 =	sadd.s32 $0x10, s24;
	v3 =	vpop (erf)  }
0x16c: {  	v4 =	vor.u32 $0x2, v1;
	[tilespmem:s21+$0x0] =	vst v3  }
0x16d: {  	v3 =	vld.idx.msk [tilespmem:v1+s19+$0x0], $0xffff  }
0x16e: {  	v6 =	vor.u32 $0x3, v1;
	v5 =	vld.idx.msk [tilespmem:v1+s18+$0x0], $0xffff  }
0x16f: {  	v7 =	vld.idx.msk [tilespmem:v2+s18+$0x0], $0xffff  }
0x170: {  	v8 =	vor.u32 $0x4, v1;
	v2 =	vld.idx.msk [tilespmem:v2+s19+$0x0], $0xffff  }
0x171: {  	v9 =	vld.idx.msk [tilespmem:v4+s18+$0x0], $0xffff  }
0x172: {  	v10 =	vor.u32 $0x5, v1;
	v4 =	vld.idx.msk [tilespmem:v4+s19+$0x0], $0xffff  }
0x173: {  	v11 =	vld.idx.msk [tilespmem:v6+s18+$0x0], $0xffff;
	v3 =	vmul.f32 v3, v5  }
0x174: {  	v33 =	vor.u32 $0x6, v1;
	v32 =	vld.idx.msk [tilespmem:v6+s19+$0x0], $0xffff  }
0x175: {  	v12 =	vld.idx.msk [tilespmem:v8+s18+$0x0], $0xffff;
	v2 =	vmul.f32 v2, v7;
	v3 =	vadd.f32 $0.0e+00, v3  }
0x176: {  	v35 =	vor.u32 $0x7, v1;
	v34 =	vld.idx.msk [tilespmem:v8+s19+$0x0], $0xffff  }
0x177: {  	v13 =	vld.idx.msk [tilespmem:v10+s18+$0x0], $0xffff;
	v2 =	vadd.f32 v2, v3;
	v3 =	vmul.f32 v4, v9  }
0x178: {  	v37 =	vor.u32 $0x8, v1;
	v36 =	vld.idx.msk [tilespmem:v10+s19+$0x0], $0xffff  }
0x179: {  	v38 =	vld.idx.msk [tilespmem:v33+s18+$0x0], $0xffff;
	v2 =	vadd.f32 v3, v2;
	v3 =	vmul.f32 v32, v11  }
0x17a: {  	v40 =	vor.u32 $0x9, v1;
	v39 =	vld.idx.msk [tilespmem:v33+s19+$0x0], $0xffff  }
0x17b: {  	v41 =	vld.idx.msk [tilespmem:v35+s18+$0x0], $0xffff;
	v2 =	vadd.f32 v3, v2;
	v3 =	vmul.f32 v34, v12  }
0x17c: {  	v43 =	vor.u32 $0xA, v1;
	v42 =	vld.idx.msk [tilespmem:v35+s19+$0x0], $0xffff  }
0x17d: {  	v44 =	vld.idx.msk [tilespmem:v37+s18+$0x0], $0xffff;
	v2 =	vadd.f32 v3, v2;
	v3 =	vmul.f32 v36, v13  }
0x17e: {  	v46 =	vor.u32 $0xB, v1;
	v45 =	vld.idx.msk [tilespmem:v37+s19+$0x0], $0xffff  }
0x17f: {  	v47 =	vld.idx.msk [tilespmem:v40+s18+$0x0], $0xffff;
	v2 =	vadd.f32 v3, v2;
	v3 =	vmul.f32 v39, v38  }
0x180: {  	v49 =	vor.u32 $0xC, v1;
	v48 =	vld.idx.msk [tilespmem:v40+s19+$0x0], $0xffff  }
0x181: {  	v50 =	vld.idx.msk [tilespmem:v43+s18+$0x0], $0xffff;
	v2 =	vadd.f32 v3, v2;
	v3 =	vmul.f32 v42, v41  }
0x182: {  	v52 =	vor.u32 $0xD, v1;
	v51 =	vld.idx.msk [tilespmem:v43+s19+$0x0], $0xffff  }
0x183: {  	v53 =	vld.idx.msk [tilespmem:v46+s18+$0x0], $0xffff;
	v2 =	vadd.f32 v3, v2;
	v3 =	vmul.f32 v45, v44  }
0x184: {  	v55 =	vor.u32 $0xE, v1;
	v54 =	vld.idx.msk [tilespmem:v46+s19+$0x0], $0xffff  }
0x185: {  	v56 =	vld.idx.msk [tilespmem:v49+s18+$0x0], $0xffff;
	v2 =	vadd.f32 v3, v2;
	v3 =	vmul.f32 v48, v47  }
0x186: {  	v58 =	vor.u32 $0xF, v1;
	v57 =	vld.idx.msk [tilespmem:v49+s19+$0x0], $0xffff  }
0x187: {  	v59 =	vld.idx.msk [tilespmem:v52+s18+$0x0], $0xffff;
	v2 =	vadd.f32 v3, v2;
	v3 =	vmul.f32 v51, v50  }
0x188: {  	v61 =	vor.u32 $0x10, v1;
	v60 =	vld.idx.msk [tilespmem:v52+s19+$0x0], $0xffff  }
0x189: {  	v62 =	vld.idx.msk [tilespmem:v55+s18+$0x0], $0xffff;
	v2 =	vadd.f32 v3, v2;
	v3 =	vmul.f32 v54, v53  }
0x18a: {  	v16 =	vor.u32 $0x11, v1;
	v63 =	vld.idx.msk [tilespmem:v55+s19+$0x0], $0xffff  }
0x18b: {  	v17 =	vld.idx.msk [tilespmem:v58+s18+$0x0], $0xffff;
	v2 =	vadd.f32 v3, v2;
	v3 =	vmul.f32 v57, v56  }
0x18c: {  	v19 =	vor.u32 $0x12, v1;
	v18 =	vld.idx.msk [tilespmem:v58+s19+$0x0], $0xffff  }
0x18d: {  	v20 =	vld.idx.msk [tilespmem:v61+s18+$0x0], $0xffff;
	v2 =	vadd.f32 v3, v2;
	v3 =	vmul.f32 v60, v59  }
0x18e: {  	v22 =	vor.u32 $0x13, v1;
	v21 =	vld.idx.msk [tilespmem:v61+s19+$0x0], $0xffff  }
0x18f: {  	v23 =	vld.idx.msk [tilespmem:v16+s18+$0x0], $0xffff;
	v2 =	vadd.f32 v3, v2;
	v3 =	vmul.f32 v63, v62  }
0x190: {  	v25 =	vor.u32 $0x14, v1;
	v24 =	vld.idx.msk [tilespmem:v16+s19+$0x0], $0xffff  }
0x191: {  	v26 =	vld.idx.msk [tilespmem:v19+s18+$0x0], $0xffff;
	v2 =	vadd.f32 v3, v2;
	v3 =	vmul.f32 v18, v17  }
0x192: {  	v28 =	vor.u32 $0x15, v1;
	v27 =	vld.idx.msk [tilespmem:v19+s19+$0x0], $0xffff  }
0x193: {  	v29 =	vld.idx.msk [tilespmem:v22+s18+$0x0], $0xffff;
	v2 =	vadd.f32 v3, v2;
	v3 =	vmul.f32 v21, v20  }
0x194: {  	v31 =	vor.u32 $0x16, v1;
	v30 =	vld.idx.msk [tilespmem:v22+s19+$0x0], $0xffff  }
0x195: {  	v33 =	vld.idx.msk [tilespmem:v25+s19+$0x0], $0xffff;
	v2 =	vadd.f32 v3, v2;
	v3 =	vmul.f32 v24, v23  }
0x196: {  	v32 =	vld.idx.msk [tilespmem:v25+s18+$0x0], $0xffff;
	v34 =	vor.u32 $0x17, v1  }
0x197: {  	v35 =	vld.idx.msk [tilespmem:v28+s18+$0x0], $0xffff;
	v2 =	vadd.f32 v3, v2;
	v3 =	vmul.f32 v27, v26  }
0x198: {  	v37 =	vor.u32 $0x18, v1;
	v36 =	vld.idx.msk [tilespmem:v28+s19+$0x0], $0xffff  }
0x199: {  	v38 =	vld.idx.msk [tilespmem:v31+s18+$0x0], $0xffff;
	v2 =	vadd.f32 v3, v2;
	v3 =	vmul.f32 v30, v29  }
0x19a: {  	v40 =	vor.u32 $0x19, v1;
	v39 =	vld.idx.msk [tilespmem:v31+s19+$0x0], $0xffff  }
0x19b: {  	v41 =	vld.idx.msk [tilespmem:v34+s18+$0x0], $0xffff;
	v2 =	vadd.f32 v3, v2;
	v3 =	vmul.f32 v33, v32  }
0x19c: {  	v43 =	vor.u32 $0x1A, v1;
	v42 =	vld.idx.msk [tilespmem:v34+s19+$0x0], $0xffff  }
0x19d: {  	v44 =	vld.idx.msk [tilespmem:v37+s18+$0x0], $0xffff;
	v2 =	vadd.f32 v3, v2;
	v3 =	vmul.f32 v36, v35  }
0x19e: {  	v46 =	vor.u32 $0x1B, v1;
	v45 =	vld.idx.msk [tilespmem:v37+s19+$0x0], $0xffff  }
0x19f: {  	v47 =	vld.idx.msk [tilespmem:v40+s18+$0x0], $0xffff;
	v2 =	vadd.f32 v3, v2;
	v3 =	vmul.f32 v39, v38  }
0x1a0: {  	v49 =	vor.u32 $0x1C, v1;
	v48 =	vld.idx.msk [tilespmem:v40+s19+$0x0], $0xffff  }
0x1a1: {  	v50 =	vld.idx.msk [tilespmem:v43+s18+$0x0], $0xffff;
	v2 =	vadd.f32 v3, v2;
	v3 =	vmul.f32 v42, v41  }
0x1a2: {  	v52 =	vor.u32 $0x1D, v1;
	v51 =	vld.idx.msk [tilespmem:v43+s19+$0x0], $0xffff  }
0x1a3: {  	v53 =	vld.idx.msk [tilespmem:v46+s18+$0x0], $0xffff;
	v2 =	vadd.f32 v3, v2;
	v3 =	vmul.f32 v45, v44  }
0x1a4: {  	v55 =	vor.u32 $0x1E, v1;
	v54 =	vld.idx.msk [tilespmem:v46+s19+$0x0], $0xffff  }
0x1a5: {  	v56 =	vld.idx.msk [tilespmem:v49+s18+$0x0], $0xffff;
	v2 =	vadd.f32 v3, v2;
	v3 =	vmul.f32 v48, v47  }
0x1a6: {  	v1 =	vor.u32 $0x1F, v1;
	v57 =	vld.idx.msk [tilespmem:v49+s19+$0x0], $0xffff  }
0x1a7: {  	v58 =	vld.idx.msk [tilespmem:v52+s18+$0x0], $0xffff;
	v2 =	vadd.f32 v3, v2;
	v3 =	vmul.f32 v51, v50  }
0x1a8: {  	v59 =	vld.idx.msk [tilespmem:v52+s19+$0x0], $0xffff  }
0x1a9: {  	v61 =	vld.idx.msk [tilespmem:v55+s19+$0x0], $0xffff;
	v2 =	vadd.f32 v3, v2;
	v3 =	vmul.f32 v54, v53  }
0x1aa: {  	v60 =	vld.idx.msk [tilespmem:v55+s18+$0x0], $0xffff  }
0x1ab: {  	v62 =	vld.idx.msk [tilespmem:v1+s18+$0x0], $0xffff;
	v2 =	vadd.f32 v3, v2;
	v3 =	vmul.f32 v57, v56  }
0x1ac: {  	v1 =	vld.idx.msk [tilespmem:v1+s19+$0x0], $0xffff  }
0x1ad: {  	v2 =	vadd.f32 v3, v2;
	v3 =	vmul.f32 v59, v58;
	_ =	sdelay $0x1  }
0x1ae: {  	s22 =	sadd.s32 $0x10, s22;
	v2 =	vadd.f32 v3, v2;
	v3 =	vmul.f32 v61, v60  }
0x1af: {  	v63 =	vld [tilespmem:s22+$0x0]  }
0x1b0: {  	s24 =	sadd.s32 $0x10, s23;
	v1 =	vmul.f32 v1, v62;
	v2 =	vadd.f32 v3, v2  }
0x1b1: {  	v3 =	vld [tilespmem:s24+$0x0]  }
0x1b2: {  	v1 =	vadd.f32 v1, v2;
	_ =	sdelay $0x1  }
0x1b3: {  	v1 =	vadd.f32 v1, v63;
	_ =	sdelay $0x1  }
0x1b4: {  	v1 =	vadd.f32 v1, v3;
	_ =	sdelay $0x1  }
0x1b5: {  	v1 =	vsub.f32 $0.0e+00, v1;
	_ =	sdelay $0x1  }
0x1b6: {  	v1 =	vmul.f32 $1.442695020e+00, v1;
	_ =	sdelay $0x1  }
0x1b7: {  	(erf) = vpow2.f32 v1;
	_ =	sdelay $0x8  }
0x1b8: {  	v1 =	vpop (erf)  }
0x1b9: {  	v1 =	vadd.f32 $1.000000000e+00, v1;
	_ =	sdelay $0x1  }
0x1ba: {  	(erf) = vrcp.f32 v1;
	_ =	sdelay $0x8  }
0x1bb: {  	s21 =	sadd.s32 $0x10, s21;
	v1 =	vpop (erf)  }
0x1bc: {  	[tilespmem:s21+$0x0] =	vst v1  }
0x1bd: {  	[hbm4b:s9+s3] =	stream.linear.scatter [tilespmem:s29], [sflag:$0x2], $0x200, $0x38;
	[tilespmem:$0x8A00] =	vst v63  }
0x1be: {  	_ =	swait.ge [sflag:s15], $0x200  }
0x1bf: {  	[sflag:s15] =	ssyncset.done $0x0  }
0x1c0: {  	[sflag:s15] =	ssyncadd.s32 $0xFFFFFE00  }
0x1c1: {  	[hbm4b:s10+s3] =	stream.linear.scatter [tilespmem:s18], [sflag:$0x2], $0x4000, $0x38;
	[tilespmem:$0x8A00] =	vst v63  }
0x1c2: {  	_ =	swait.ge [sflag:s15], $0x4000  }
0x1c3: {  	[sflag:s15] =	ssyncset.done $0x0  }
0x1c4: {  	[sflag:s15] =	ssyncadd.s32 $0xFFFFC000  }
0x1c5: {  	[hbm4b:s11+s3] =	stream.linear.scatter [tilespmem:s19], [sflag:$0x2], $0x4000, $0x38;
	[tilespmem:$0x8A00] =	vst v63  }
0x1c6: {  	_ =	swait.ge [sflag:s15], $0x4000  }
0x1c7: {  	[sflag:s15] =	ssyncset.done $0x0  }
0x1c8: {  	[sflag:s15] =	ssyncadd.s32 $0xFFFFC000  }
0x1c9: {  	[hbm4b:s12+s3] =	stream.linear.scatter [tilespmem:s30], [sflag:$0x2], $0x200, $0x38;
	[tilespmem:$0x8A00] =	vst v63  }
0x1ca: {  	s2 =	sadd.s32 $0x1, s2;
	_ =	swait.ge [sflag:s15], $0x200  }
0x1cb: {  	p0 =	sne.s32 s2, s14;
	[sflag:s15] =	ssyncset.done $0x0  }
.Ltmp1:
0x1cc: {  	[sflag:s15] =	ssyncadd.s32 $0xFFFFFE00;
	(pc) =	sbr.rel @p0 .LBB2_1-.Ltmp1, $4  }
0x1cd: {  	[hbm4b:s13+s3] =	stream.linear.scatter [tilespmem:s31], [sflag:$0x2], $0x200, $0x38;
	[tilespmem:$0x8A00] =	vst v63  }
0x1ce: {  	_ =	swait.ge [sflag:s15], $0x200  }
0x1cf: {  	[sflag:s15] =	ssyncset.done $0x0  }
0x1d0: {  	[sflag:s15] =	ssyncadd.s32 $0xFFFFFE00  }
0x1d1: {  	_ =	sfence.sel $0x180000  }
0x1d2: {  	[bflag:$0x0] =	sbarrier.arrive $0xFFFF  }
0x1d3: {  	_ =	strace $0x90000047  }
0x1d4: {  	s0 =	stileid.u32;
	[bflag:$0x2] =	sbarrier.arrive $0xFFFF  }
0x1d5: {  	p0 =	sne.s32 s0, $0x0;
	s0 =	rddreg [dreg:$0x8]  }
0x1d6: {  	s0 =	sadd.s32 @!p0 $0x100000, s0  }
0x1d7: {  	[sflag:s0] =	ssyncadd.tile.s32 @!p0 $0x1;
	_ =	shalt  }
.Lfunc_end2:
_tile_overlayer_lowered:
.L_overlay_start_2:
0x1d8: {  	(tag) =	ssettag $0x2  }
0x1d9: {  	s0 =	rddreg [dreg:$0x0];
	s2 =	stileid.u32  }
0x1da: {  	s1 =	rddreg [dreg:$0x1];
	p0 =	sne.s32 s2, $0x0  }
0x1db: {  	s3 =	rddreg [dreg:$0x2];
	[bflag:$0x3] =	sbarrier.arrive $0xFFFF;
	s2 =	simm.s32 @!p0 $0x1C02  }
0x1dc: {  	[timem:s3], [sflag:s2] =	dma.local @!p0 [hbm:s0], s1  }
0x1dd: {  	s0 =	simm.s32 @!p0 $0x2  }
0x1de: {  	_ =	swait.ge @!p0 [sflag:s0], s1  }
0x1df: {  	s1 =	ssub.s32 @!p0 $0x0, s1;
	[sflag:s0] =	ssyncset.done @!p0 $0x0  }
0x1e0: {  	[sflag:s0] =	ssyncadd.s32 @!p0 s1  }
0x1e1: {  	[bflag:$0x3] =	sbarrier.arrive $0xFFFF  }
0x1e2: {  	_ =	shalt  }

</sc_bundles>
